<compile_context>
chip_gen: v7x
topology: tpu7x:2x2x1
jax: 0.10.2.dev20260603
libtpu: 0.0.44.dev20260713+nightly
codegen_flags: <defaults>
</compile_context>

<pallas_src>
import jax
import jax.numpy as jnp
from jax import lax
from jax.experimental import pallas as pl
from jax.experimental.pallas import tpu as pltpu
from jax.experimental.pallas import tpu_sc as plsc

SRC_ROWS = 1000000
N_ROWS = 16384
N_COLS = 64
B = N_ROWS * N_COLS
NW = 32
W_ELEMS = B // NW
ROWS_PER_W = N_ROWS // NW
L = 16
QS = N_COLS // L
NCH = 8
CH_ROWS = ROWS_PER_W // NCH
CH_ELEMS = CH_ROWS * N_COLS


def _gather_body(src_hbm, idx_hbm, out_hbm, a_v, flat_v, ga_v, gb_v,
                 sema, semb):
    c = lax.axis_index("c")
    s = lax.axis_index("s")
    wid = s * 2 + c
    rb = wid * ROWS_PER_W

    a_i32 = a_v.bitcast(jnp.int32)
    pltpu.sync_copy(idx_hbm.at[pl.ds(rb, ROWS_PER_W)], a_i32)

    lane = lax.iota(jnp.int32, L)
    qofs = [lane + q * L for q in range(QS)]

    def arith_chunk(k):
        def body(r0, carry):
            r = k * CH_ROWS + r0
            for q in range(QS):
                v = a_i32[r, pl.ds(q * L, L)]
                flat_v[pl.ds(r * N_COLS + q * L, L)] = v * N_COLS + qofs[q]
            return carry
        lax.fori_loop(0, CH_ROWS, body, 0)

    def fire(k, buf, sem):
        return pltpu.async_copy(
            src_hbm.at[flat_v.at[pl.ds(k * CH_ELEMS, CH_ELEMS)]], buf, sem)

    def repack_chunk(k, buf):
        def body(r0, carry):
            for q in range(QS):
                a_v[k * CH_ROWS + r0, pl.ds(q * L, L)] = (
                    buf[pl.ds(r0 * N_COLS + q * L, L)])
            return carry
        lax.fori_loop(0, CH_ROWS, body, 0)

    bufs = [(ga_v, sema), (gb_v, semb)]
    cps = {}
    arith_chunk(0)
    cps[0] = fire(0, *bufs[0])
    arith_chunk(1)
    cps[1] = fire(1, *bufs[1])
    for k in range(2, NCH):
        buf, sem = bufs[k % 2]
        cps[k - 2].wait()
        repack_chunk(k - 2, buf)
        arith_chunk(k)
        cps[k] = fire(k, buf, sem)
    cps[NCH - 2].wait()
    repack_chunk(NCH - 2, bufs[NCH % 2][0])
    cps[NCH - 1].wait()
    repack_chunk(NCH - 1, bufs[(NCH + 1) % 2][0])

    pltpu.sync_copy(a_v, out_hbm.at[pl.ds(rb, ROWS_PER_W)])


def kernel(source, source_idx_2d):
    src_flat = source.reshape(-1)
    idx = source_idx_2d.astype(jnp.int32)
    mesh = plsc.VectorSubcoreMesh(core_axis_name="c", subcore_axis_name="s")
    return pl.kernel(
        _gather_body,
        out_type=jax.ShapeDtypeStruct((N_ROWS, N_COLS), jnp.float32),
        mesh=mesh,
        scratch_types=[
            pltpu.VMEM((ROWS_PER_W, N_COLS), jnp.float32),
            pltpu.VMEM((W_ELEMS,), jnp.int32),
            pltpu.VMEM((CH_ELEMS,), jnp.float32),
            pltpu.VMEM((CH_ELEMS,), jnp.float32),
            pltpu.SemaphoreType.DMA,
            pltpu.SemaphoreType.DMA,
        ],
    )(src_flat, idx)

# --- scband reference (transcript-rebuilt; emitter-appended) ---
"""Pipeline reference for scband-op6-gather-4269197492497 (READ-ONLY COPY).

The authoritative reference and input builder live on the scoring server;
editing this copy changes nothing except your own understanding.
"""

import jax, jax.numpy as jnp
import numpy as np

def setup_inputs(seed: int = 0) -> dict:
    key = jax.random.key(seed)
    k1, k2 = jax.random.split(key)
    source = jax.random.normal(k1, (1000000, 64), dtype=jnp.float32)
    source_idx_2d = jax.random.randint(k2, (16384, 64), 0, 1000000, dtype=jnp.int64)
    return {"source": source, "source_idx_2d": source_idx_2d}

def reference(source, source_idx_2d):
    # torch.gather(source, 0, idx): out[i, j] = source[idx[i, j], j]
    return jnp.take_along_axis(source, source_idx_2d, axis=0)

if __name__ == "__main__":
    import jax
    _d = setup_inputs()
    print(jax.jit(kernel)(*tuple(_d.values())))

</pallas_src>

<mosaic_0001>
#map = affine_map<(d0, d1) -> (0)>
#map1 = affine_map<(d0, d1) -> (0, 0)>
module attributes {stable_mosaic.version = 14 : i64} {
  func.func @_gather_body(%arg0: i32, %arg1: i32, %arg2: memref<64000000xf32, #tpu.memory_space<hbm>>, %arg3: memref<16384x64xi32, #tpu.memory_space<hbm>>, %arg4: memref<16384x64xf32, #tpu.memory_space<hbm>>, %arg5: memref<512x64xf32, #tpu.memory_space<vmem>>, %arg6: memref<32768xi32, #tpu.memory_space<vmem>>, %arg7: memref<4096xf32, #tpu.memory_space<vmem>>, %arg8: memref<4096xf32, #tpu.memory_space<vmem>>, %arg9: memref<!tpu.dma_semaphore, #tpu.memory_space<semaphore_mem>>, %arg10: memref<!tpu.dma_semaphore, #tpu.memory_space<semaphore_mem>>) attributes {dimension_semantics = [#tpu.dimension_semantics<core_parallel>, #tpu.dimension_semantics<subcore_parallel>], iteration_bounds = array<i64: 2, 16>, scalar_prefetch = 0 : i64, scratch_operands = 6 : i64, tpu.core_type = #tpu.core_type<sc_vector_subcore>, window_params = [{transform_indices = #map}, {transform_indices = #map1}, {transform_indices = #map1}]} {
    %mul3A = arith.constant 2 : i32
    %mul3A_0 = arith.muli %arg1, %mul3A : i32
    %add3A = arith.addi %mul3A_0, %arg0 : i32
    %mul3A_1 = arith.constant 512 : i32
    %mul3A_2 = arith.muli %add3A, %mul3A_1 : i32
    "tpu.region"() ({
      %run_scoped3A = tpu.sem_alloc : memref<!tpu.dma_semaphore, #tpu.memory_space<semaphore_mem>>
      %dma_start3A_172 = tpu.memref_bitcast %arg5 : memref<512x64xf32, #tpu.memory_space<vmem>> -> memref<512x64xi32, #tpu.memory_space<vmem>>
      %dma_start3A_173 = arith.constant 0 : i32
      %dma_start3A_174 = tpu.memref_slice %arg3[%mul3A_2, %dma_start3A_173] : memref<16384x64xi32, #tpu.memory_space<hbm>> -> memref<512x64xi32, #tpu.memory_space<hbm>>
      %dma_start3A_175 = tpu.memref_bitcast %arg5 : memref<512x64xf32, #tpu.memory_space<vmem>> -> memref<512x64xi32, #tpu.memory_space<vmem>>
      %dma_start3A_176 = arith.constant 0 : i32
      %dma_start3A_177 = tpu.memref_slice %arg3[%mul3A_2, %dma_start3A_176] : memref<16384x64xi32, #tpu.memory_space<hbm>> -> memref<512x64xi32, #tpu.memory_space<hbm>>
      tpu.enqueue_dma source(%dma_start3A_177 : memref<512x64xi32, #tpu.memory_space<hbm>>) target(%dma_start3A_175 : memref<512x64xi32, #tpu.memory_space<vmem>>) target_semaphore(%run_scoped3A : memref<!tpu.dma_semaphore, #tpu.memory_space<semaphore_mem>>)
      %dma_wait3A_178 = tpu.memref_bitcast %arg5 : memref<512x64xf32, #tpu.memory_space<vmem>> -> memref<512x64xi32, #tpu.memory_space<vmem>>
      %dma_wait3A_179 = arith.constant 0 : i32
      %dma_wait3A_180 = tpu.memref_slice %arg3[%mul3A_2, %dma_wait3A_179] : memref<16384x64xi32, #tpu.memory_space<hbm>> -> memref<512x64xi32, #tpu.memory_space<hbm>>
      %dma_wait3A_181 = tpu.memref_bitcast %arg5 : memref<512x64xf32, #tpu.memory_space<vmem>> -> memref<512x64xi32, #tpu.memory_space<vmem>>
      %dma_wait3A_182 = arith.constant 0 : i32
      %dma_wait3A_183 = tpu.memref_slice %arg3[%mul3A_2, %dma_wait3A_182] : memref<16384x64xi32, #tpu.memory_space<hbm>> -> memref<512x64xi32, #tpu.memory_space<hbm>>
      tpu.wait_dma2 semaphore(%run_scoped3A : memref<!tpu.dma_semaphore, #tpu.memory_space<semaphore_mem>>) src(%dma_wait3A_183 : memref<512x64xi32, #tpu.memory_space<hbm>>) dst(%dma_wait3A_181 : memref<512x64xi32, #tpu.memory_space<vmem>>)
      tpu.yield
    }) : () -> ()
    %iota3A = tpu.iota {dimensions = array<i32: 0>} : vector<16xi32>
    %add3A_3 = arith.constant 0 : i32
    %add3A_4 = vector.broadcast %add3A_3 : i32 to vector<16xi32>
    %add3A_5 = arith.addi %iota3A, %add3A_4 : vector<16xi32>
    %add3A_6 = arith.constant 16 : i32
    %add3A_7 = vector.broadcast %add3A_6 : i32 to vector<16xi32>
    %add3A_8 = arith.addi %iota3A, %add3A_7 : vector<16xi32>
    %add3A_9 = arith.constant 32 : i32
    %add3A_10 = vector.broadcast %add3A_9 : i32 to vector<16xi32>
    %add3A_11 = arith.addi %iota3A, %add3A_10 : vector<16xi32>
    %add3A_12 = arith.constant 48 : i32
    %add3A_13 = vector.broadcast %add3A_12 : i32 to vector<16xi32>
    %add3A_14 = arith.addi %iota3A, %add3A_13 : vector<16xi32>
    %scan3A = arith.constant 0 : i32
    %scan3A_15 = arith.constant 0 : i32
    %scan3A_16 = arith.constant 64 : i32
    %scan3A_17 = arith.addi %scan3A_15, %scan3A_16 : i32
    %scan3A_18 = arith.constant 1 : i32
    scf.for %scan3A_172 = %scan3A_15 to %scan3A_17 step %scan3A_18  : i32 {
      %add3A_173 = arith.constant 0 : i32
      %add3A_174 = arith.addi %add3A_173, %scan3A_172 : i32
      %get3A = tpu.memref_bitcast %arg5 : memref<512x64xf32, #tpu.memory_space<vmem>> -> memref<512x64xi32, #tpu.memory_space<vmem>>
      %get3A_175 = arith.index_cast %add3A_174 : i32 to index
      %get3A_176 = arith.constant 0 : index
      %get3A_177 = tpu.vector_load %get3A[%get3A_175, %get3A_176] {strides = array<i32>} : memref<512x64xi32, #tpu.memory_space<vmem>>, vector<1x16xi32>,
      %get3A_178 = vector.shape_cast %get3A_177 : vector<1x16xi32> to vector<16xi32>
      %mul3A_179 = arith.constant 64 : i32
      %mul3A_180 = vector.broadcast %mul3A_179 : i32 to vector<16xi32>
      %mul3A_181 = arith.muli %get3A_178, %mul3A_180 : vector<16xi32>
      %add3A_182 = arith.addi %mul3A_181, %add3A_5 : vector<16xi32>
      %mul3A_183 = arith.constant 64 : i32
      %mul3A_184 = arith.muli %add3A_174, %mul3A_183 : i32
      %add3A_185 = arith.constant 0 : i32
      %add3A_186 = arith.addi %mul3A_184, %add3A_185 : i32
      %swap3A = arith.index_cast %add3A_186 : i32 to index
      %swap3A_187 = tpu.vector_load %arg6[%swap3A] {strides = array<i32>} : memref<32768xi32, #tpu.memory_space<vmem>>, vector<16xi32>,
      %swap3A_188 = vector.shape_cast %swap3A_187 : vector<16xi32> to vector<16xi32>
      %swap3A_189 = vector.shape_cast %add3A_182 : vector<16xi32> to vector<16xi32>
      tpu.vector_store %arg6[%swap3A], %swap3A_189 {strides = array<i32>} : memref<32768xi32, #tpu.memory_space<vmem>>, vector<16xi32>,
      %get3A_190 = tpu.memref_bitcast %arg5 : memref<512x64xf32, #tpu.memory_space<vmem>> -> memref<512x64xi32, #tpu.memory_space<vmem>>
      %get3A_191 = arith.index_cast %add3A_174 : i32 to index
      %get3A_192 = arith.constant 16 : index
      %get3A_193 = tpu.vector_load %get3A_190[%get3A_191, %get3A_192] {strides = array<i32>} : memref<512x64xi32, #tpu.memory_space<vmem>>, vector<1x16xi32>,
      %get3A_194 = vector.shape_cast %get3A_193 : vector<1x16xi32> to vector<16xi32>
      %mul3A_195 = arith.constant 64 : i32
      %mul3A_196 = vector.broadcast %mul3A_195 : i32 to vector<16xi32>
      %mul3A_197 = arith.muli %get3A_194, %mul3A_196 : vector<16xi32>
      %add3A_198 = arith.addi %mul3A_197, %add3A_8 : vector<16xi32>
      %mul3A_199 = arith.constant 64 : i32
      %mul3A_200 = arith.muli %add3A_174, %mul3A_199 : i32
      %add3A_201 = arith.constant 16 : i32
      %add3A_202 = arith.addi %mul3A_200, %add3A_201 : i32
      %swap3A_203 = arith.index_cast %add3A_202 : i32 to index
      %swap3A_204 = tpu.vector_load %arg6[%swap3A_203] {strides = array<i32>} : memref<32768xi32, #tpu.memory_space<vmem>>, vector<16xi32>,
      %swap3A_205 = vector.shape_cast %swap3A_204 : vector<16xi32> to vector<16xi32>
      %swap3A_206 = vector.shape_cast %add3A_198 : vector<16xi32> to vector<16xi32>
      tpu.vector_store %arg6[%swap3A_203], %swap3A_206 {strides = array<i32>} : memref<32768xi32, #tpu.memory_space<vmem>>, vector<16xi32>,
      %get3A_207 = tpu.memref_bitcast %arg5 : memref<512x64xf32, #tpu.memory_space<vmem>> -> memref<512x64xi32, #tpu.memory_space<vmem>>
      %get3A_208 = arith.index_cast %add3A_174 : i32 to index
      %get3A_209 = arith.constant 32 : index
      %get3A_210 = tpu.vector_load %get3A_207[%get3A_208, %get3A_209] {strides = array<i32>} : memref<512x64xi32, #tpu.memory_space<vmem>>, vector<1x16xi32>,
      %get3A_211 = vector.shape_cast %get3A_210 : vector<1x16xi32> to vector<16xi32>
      %mul3A_212 = arith.constant 64 : i32
      %mul3A_213 = vector.broadcast %mul3A_212 : i32 to vector<16xi32>
      %mul3A_214 = arith.muli %get3A_211, %mul3A_213 : vector<16xi32>
      %add3A_215 = arith.addi %mul3A_214, %add3A_11 : vector<16xi32>
      %mul3A_216 = arith.constant 64 : i32
      %mul3A_217 = arith.muli %add3A_174, %mul3A_216 : i32
      %add3A_218 = arith.constant 32 : i32
      %add3A_219 = arith.addi %mul3A_217, %add3A_218 : i32
      %swap3A_220 = arith.index_cast %add3A_219 : i32 to index
      %swap3A_221 = tpu.vector_load %arg6[%swap3A_220] {strides = array<i32>} : memref<32768xi32, #tpu.memory_space<vmem>>, vector<16xi32>,
      %swap3A_222 = vector.shape_cast %swap3A_221 : vector<16xi32> to vector<16xi32>
      %swap3A_223 = vector.shape_cast %add3A_215 : vector<16xi32> to vector<16xi32>
      tpu.vector_store %arg6[%swap3A_220], %swap3A_223 {strides = array<i32>} : memref<32768xi32, #tpu.memory_space<vmem>>, vector<16xi32>,
      %get3A_224 = tpu.memref_bitcast %arg5 : memref<512x64xf32, #tpu.memory_space<vmem>> -> memref<512x64xi32, #tpu.memory_space<vmem>>
      %get3A_225 = arith.index_cast %add3A_174 : i32 to index
      %get3A_226 = arith.constant 48 : index
      %get3A_227 = tpu.vector_load %get3A_224[%get3A_225, %get3A_226] {strides = array<i32>} : memref<512x64xi32, #tpu.memory_space<vmem>>, vector<1x16xi32>,
      %get3A_228 = vector.shape_cast %get3A_227 : vector<1x16xi32> to vector<16xi32>
      %mul3A_229 = arith.constant 64 : i32
      %mul3A_230 = vector.broadcast %mul3A_229 : i32 to vector<16xi32>
      %mul3A_231 = arith.muli %get3A_228, %mul3A_230 : vector<16xi32>
      %add3A_232 = arith.addi %mul3A_231, %add3A_14 : vector<16xi32>
      %mul3A_233 = arith.constant 64 : i32
      %mul3A_234 = arith.muli %add3A_174, %mul3A_233 : i32
      %add3A_235 = arith.constant 48 : i32
      %add3A_236 = arith.addi %mul3A_234, %add3A_235 : i32
      %swap3A_237 = arith.index_cast %add3A_236 : i32 to index
      %swap3A_238 = tpu.vector_load %arg6[%swap3A_237] {strides = array<i32>} : memref<32768xi32, #tpu.memory_space<vmem>>, vector<16xi32>,
      %swap3A_239 = vector.shape_cast %swap3A_238 : vector<16xi32> to vector<16xi32>
      %swap3A_240 = vector.shape_cast %add3A_232 : vector<16xi32> to vector<16xi32>
      tpu.vector_store %arg6[%swap3A_237], %swap3A_240 {strides = array<i32>} : memref<32768xi32, #tpu.memory_space<vmem>>, vector<16xi32>,
    }
    %scan3A_19 = arith.constant 64 : i32
    %dma_start3A = arith.constant 0 : i32
    %dma_start3A_20 = tpu.memref_slice %arg6[%dma_start3A] : memref<32768xi32, #tpu.memory_space<vmem>> -> memref<4096xi32, #tpu.memory_space<vmem>>
    %dma_start3A_21 = arith.constant 0 : i32
    %dma_start3A_22 = tpu.memref_slice %arg2[%dma_start3A_21] : memref<64000000xf32, #tpu.memory_space<hbm>> -> memref<64000000xf32, #tpu.memory_space<hbm>>
    tpu.enqueue_indirect_dma source(%dma_start3A_22 : memref<64000000xf32, #tpu.memory_space<hbm>>) target(%arg7 : memref<4096xf32, #tpu.memory_space<vmem>>) offsets(%dma_start3A_20 : memref<4096xi32, #tpu.memory_space<vmem>>) semaphore(%arg9 : memref<!tpu.dma_semaphore, #tpu.memory_space<semaphore_mem>>)
    %scan3A_23 = arith.constant 0 : i32
    %scan3A_24 = arith.constant 0 : i32
    %scan3A_25 = arith.constant 64 : i32
    %scan3A_26 = arith.addi %scan3A_24, %scan3A_25 : i32
    %scan3A_27 = arith.constant 1 : i32
    scf.for %scan3A_172 = %scan3A_24 to %scan3A_26 step %scan3A_27  : i32 {
      %add3A_173 = arith.constant 64 : i32
      %add3A_174 = arith.addi %add3A_173, %scan3A_172 : i32
      %get3A = tpu.memref_bitcast %arg5 : memref<512x64xf32, #tpu.memory_space<vmem>> -> memref<512x64xi32, #tpu.memory_space<vmem>>
      %get3A_175 = arith.index_cast %add3A_174 : i32 to index
      %get3A_176 = arith.constant 0 : index
      %get3A_177 = tpu.vector_load %get3A[%get3A_175, %get3A_176] {strides = array<i32>} : memref<512x64xi32, #tpu.memory_space<vmem>>, vector<1x16xi32>,
      %get3A_178 = vector.shape_cast %get3A_177 : vector<1x16xi32> to vector<16xi32>
      %mul3A_179 = arith.constant 64 : i32
      %mul3A_180 = vector.broadcast %mul3A_179 : i32 to vector<16xi32>
      %mul3A_181 = arith.muli %get3A_178, %mul3A_180 : vector<16xi32>
      %add3A_182 = arith.addi %mul3A_181, %add3A_5 : vector<16xi32>
      %mul3A_183 = arith.constant 64 : i32
      %mul3A_184 = arith.muli %add3A_174, %mul3A_183 : i32
      %add3A_185 = arith.constant 0 : i32
      %add3A_186 = arith.addi %mul3A_184, %add3A_185 : i32
      %swap3A = arith.index_cast %add3A_186 : i32 to index
      %swap3A_187 = tpu.vector_load %arg6[%swap3A] {strides = array<i32>} : memref<32768xi32, #tpu.memory_space<vmem>>, vector<16xi32>,
      %swap3A_188 = vector.shape_cast %swap3A_187 : vector<16xi32> to vector<16xi32>
      %swap3A_189 = vector.shape_cast %add3A_182 : vector<16xi32> to vector<16xi32>
      tpu.vector_store %arg6[%swap3A], %swap3A_189 {strides = array<i32>} : memref<32768xi32, #tpu.memory_space<vmem>>, vector<16xi32>,
      %get3A_190 = tpu.memref_bitcast %arg5 : memref<512x64xf32, #tpu.memory_space<vmem>> -> memref<512x64xi32, #tpu.memory_space<vmem>>
      %get3A_191 = arith.index_cast %add3A_174 : i32 to index
      %get3A_192 = arith.constant 16 : index
      %get3A_193 = tpu.vector_load %get3A_190[%get3A_191, %get3A_192] {strides = array<i32>} : memref<512x64xi32, #tpu.memory_space<vmem>>, vector<1x16xi32>,
      %get3A_194 = vector.shape_cast %get3A_193 : vector<1x16xi32> to vector<16xi32>
      %mul3A_195 = arith.constant 64 : i32
      %mul3A_196 = vector.broadcast %mul3A_195 : i32 to vector<16xi32>
      %mul3A_197 = arith.muli %get3A_194, %mul3A_196 : vector<16xi32>
      %add3A_198 = arith.addi %mul3A_197, %add3A_8 : vector<16xi32>
      %mul3A_199 = arith.constant 64 : i32
      %mul3A_200 = arith.muli %add3A_174, %mul3A_199 : i32
      %add3A_201 = arith.constant 16 : i32
      %add3A_202 = arith.addi %mul3A_200, %add3A_201 : i32
      %swap3A_203 = arith.index_cast %add3A_202 : i32 to index
      %swap3A_204 = tpu.vector_load %arg6[%swap3A_203] {strides = array<i32>} : memref<32768xi32, #tpu.memory_space<vmem>>, vector<16xi32>,
      %swap3A_205 = vector.shape_cast %swap3A_204 : vector<16xi32> to vector<16xi32>
      %swap3A_206 = vector.shape_cast %add3A_198 : vector<16xi32> to vector<16xi32>
      tpu.vector_store %arg6[%swap3A_203], %swap3A_206 {strides = array<i32>} : memref<32768xi32, #tpu.memory_space<vmem>>, vector<16xi32>,
      %get3A_207 = tpu.memref_bitcast %arg5 : memref<512x64xf32, #tpu.memory_space<vmem>> -> memref<512x64xi32, #tpu.memory_space<vmem>>
      %get3A_208 = arith.index_cast %add3A_174 : i32 to index
      %get3A_209 = arith.constant 32 : index
      %get3A_210 = tpu.vector_load %get3A_207[%get3A_208, %get3A_209] {strides = array<i32>} : memref<512x64xi32, #tpu.memory_space<vmem>>, vector<1x16xi32>,
      %get3A_211 = vector.shape_cast %get3A_210 : vector<1x16xi32> to vector<16xi32>
      %mul3A_212 = arith.constant 64 : i32
      %mul3A_213 = vector.broadcast %mul3A_212 : i32 to vector<16xi32>
      %mul3A_214 = arith.muli %get3A_211, %mul3A_213 : vector<16xi32>
      %add3A_215 = arith.addi %mul3A_214, %add3A_11 : vector<16xi32>
      %mul3A_216 = arith.constant 64 : i32
      %mul3A_217 = arith.muli %add3A_174, %mul3A_216 : i32
      %add3A_218 = arith.constant 32 : i32
      %add3A_219 = arith.addi %mul3A_217, %add3A_218 : i32
      %swap3A_220 = arith.index_cast %add3A_219 : i32 to index
      %swap3A_221 = tpu.vector_load %arg6[%swap3A_220] {strides = array<i32>} : memref<32768xi32, #tpu.memory_space<vmem>>, vector<16xi32>,
      %swap3A_222 = vector.shape_cast %swap3A_221 : vector<16xi32> to vector<16xi32>
      %swap3A_223 = vector.shape_cast %add3A_215 : vector<16xi32> to vector<16xi32>
      tpu.vector_store %arg6[%swap3A_220], %swap3A_223 {strides = array<i32>} : memref<32768xi32, #tpu.memory_space<vmem>>, vector<16xi32>,
      %get3A_224 = tpu.memref_bitcast %arg5 : memref<512x64xf32, #tpu.memory_space<vmem>> -> memref<512x64xi32, #tpu.memory_space<vmem>>
      %get3A_225 = arith.index_cast %add3A_174 : i32 to index
      %get3A_226 = arith.constant 48 : index
      %get3A_227 = tpu.vector_load %get3A_224[%get3A_225, %get3A_226] {strides = array<i32>} : memref<512x64xi32, #tpu.memory_space<vmem>>, vector<1x16xi32>,
      %get3A_228 = vector.shape_cast %get3A_227 : vector<1x16xi32> to vector<16xi32>
      %mul3A_229 = arith.constant 64 : i32
      %mul3A_230 = vector.broadcast %mul3A_229 : i32 to vector<16xi32>
      %mul3A_231 = arith.muli %get3A_228, %mul3A_230 : vector<16xi32>
      %add3A_232 = arith.addi %mul3A_231, %add3A_14 : vector<16xi32>
      %mul3A_233 = arith.constant 64 : i32
      %mul3A_234 = arith.muli %add3A_174, %mul3A_233 : i32
      %add3A_235 = arith.constant 48 : i32
      %add3A_236 = arith.addi %mul3A_234, %add3A_235 : i32
      %swap3A_237 = arith.index_cast %add3A_236 : i32 to index
      %swap3A_238 = tpu.vector_load %arg6[%swap3A_237] {strides = array<i32>} : memref<32768xi32, #tpu.memory_space<vmem>>, vector<16xi32>,
      %swap3A_239 = vector.shape_cast %swap3A_238 : vector<16xi32> to vector<16xi32>
      %swap3A_240 = vector.shape_cast %add3A_232 : vector<16xi32> to vector<16xi32>
      tpu.vector_store %arg6[%swap3A_237], %swap3A_240 {strides = array<i32>} : memref<32768xi32, #tpu.memory_space<vmem>>, vector<16xi32>,
    }
    %scan3A_28 = arith.constant 64 : i32
    %dma_start3A_29 = arith.constant 4096 : i32
    %dma_start3A_30 = tpu.memref_slice %arg6[%dma_start3A_29] : memref<32768xi32, #tpu.memory_space<vmem>> -> memref<4096xi32, #tpu.memory_space<vmem>>
    %dma_start3A_31 = arith.constant 0 : i32
    %dma_start3A_32 = tpu.memref_slice %arg2[%dma_start3A_31] : memref<64000000xf32, #tpu.memory_space<hbm>> -> memref<64000000xf32, #tpu.memory_space<hbm>>
    tpu.enqueue_indirect_dma source(%dma_start3A_32 : memref<64000000xf32, #tpu.memory_space<hbm>>) target(%arg8 : memref<4096xf32, #tpu.memory_space<vmem>>) offsets(%dma_start3A_30 : memref<4096xi32, #tpu.memory_space<vmem>>) semaphore(%arg10 : memref<!tpu.dma_semaphore, #tpu.memory_space<semaphore_mem>>)
    %dma_wait3A = arith.constant 0 : i32
    %dma_wait3A_33 = tpu.memref_slice %arg6[%dma_wait3A] : memref<32768xi32, #tpu.memory_space<vmem>> -> memref<4096xi32, #tpu.memory_space<vmem>>
    %dma_wait3A_34 = arith.constant 0 : i32
    %dma_wait3A_35 = tpu.memref_slice %arg2[%dma_wait3A_34] : memref<64000000xf32, #tpu.memory_space<hbm>> -> memref<64000000xf32, #tpu.memory_space<hbm>>
    tpu.wait_indirect_dma semaphore(%arg9 : memref<!tpu.dma_semaphore, #tpu.memory_space<semaphore_mem>>) src(%dma_wait3A_35 : memref<64000000xf32, #tpu.memory_space<hbm>>) dst(%arg7 : memref<4096xf32, #tpu.memory_space<vmem>>)
    %scan3A_36 = arith.constant 0 : i32
    %scan3A_37 = arith.constant 0 : i32
    %scan3A_38 = arith.constant 64 : i32
    %scan3A_39 = arith.addi %scan3A_37, %scan3A_38 : i32
    %scan3A_40 = arith.constant 1 : i32
    scf.for %scan3A_172 = %scan3A_37 to %scan3A_39 step %scan3A_40  : i32 {
      %mul3A_173 = arith.constant 64 : i32
      %mul3A_174 = arith.muli %scan3A_172, %mul3A_173 : i32
      %add3A_175 = arith.constant 0 : i32
      %add3A_176 = arith.addi %mul3A_174, %add3A_175 : i32
      %get3A = arith.index_cast %add3A_176 : i32 to index
      %get3A_177 = tpu.vector_load %arg7[%get3A] {strides = array<i32>} : memref<4096xf32, #tpu.memory_space<vmem>>, vector<16xf32>,
      %get3A_178 = vector.shape_cast %get3A_177 : vector<16xf32> to vector<16xf32>
      %add3A_179 = arith.constant 0 : i32
      %add3A_180 = arith.addi %add3A_179, %scan3A_172 : i32
      %swap3A = arith.index_cast %add3A_180 : i32 to index
      %swap3A_181 = arith.constant 0 : index
      %swap3A_182 = tpu.vector_load %arg5[%swap3A, %swap3A_181] {strides = array<i32>} : memref<512x64xf32, #tpu.memory_space<vmem>>, vector<1x16xf32>,
      %swap3A_183 = vector.shape_cast %swap3A_182 : vector<1x16xf32> to vector<16xf32>
      %swap3A_184 = vector.shape_cast %get3A_178 : vector<16xf32> to vector<1x16xf32>
      tpu.vector_store %arg5[%swap3A, %swap3A_181], %swap3A_184 {strides = array<i32>} : memref<512x64xf32, #tpu.memory_space<vmem>>, vector<1x16xf32>,
      %mul3A_185 = arith.constant 64 : i32
      %mul3A_186 = arith.muli %scan3A_172, %mul3A_185 : i32
      %add3A_187 = arith.constant 16 : i32
      %add3A_188 = arith.addi %mul3A_186, %add3A_187 : i32
      %get3A_189 = arith.index_cast %add3A_188 : i32 to index
      %get3A_190 = tpu.vector_load %arg7[%get3A_189] {strides = array<i32>} : memref<4096xf32, #tpu.memory_space<vmem>>, vector<16xf32>,
      %get3A_191 = vector.shape_cast %get3A_190 : vector<16xf32> to vector<16xf32>
      %add3A_192 = arith.constant 0 : i32
      %add3A_193 = arith.addi %add3A_192, %scan3A_172 : i32
      %swap3A_194 = arith.index_cast %add3A_193 : i32 to index
      %swap3A_195 = arith.constant 16 : index
      %swap3A_196 = tpu.vector_load %arg5[%swap3A_194, %swap3A_195] {strides = array<i32>} : memref<512x64xf32, #tpu.memory_space<vmem>>, vector<1x16xf32>,
      %swap3A_197 = vector.shape_cast %swap3A_196 : vector<1x16xf32> to vector<16xf32>
      %swap3A_198 = vector.shape_cast %get3A_191 : vector<16xf32> to vector<1x16xf32>
      tpu.vector_store %arg5[%swap3A_194, %swap3A_195], %swap3A_198 {strides = array<i32>} : memref<512x64xf32, #tpu.memory_space<vmem>>, vector<1x16xf32>,
      %mul3A_199 = arith.constant 64 : i32
      %mul3A_200 = arith.muli %scan3A_172, %mul3A_199 : i32
      %add3A_201 = arith.constant 32 : i32
      %add3A_202 = arith.addi %mul3A_200, %add3A_201 : i32
      %get3A_203 = arith.index_cast %add3A_202 : i32 to index
      %get3A_204 = tpu.vector_load %arg7[%get3A_203] {strides = array<i32>} : memref<4096xf32, #tpu.memory_space<vmem>>, vector<16xf32>,
      %get3A_205 = vector.shape_cast %get3A_204 : vector<16xf32> to vector<16xf32>
      %add3A_206 = arith.constant 0 : i32
      %add3A_207 = arith.addi %add3A_206, %scan3A_172 : i32
      %swap3A_208 = arith.index_cast %add3A_207 : i32 to index
      %swap3A_209 = arith.constant 32 : index
      %swap3A_210 = tpu.vector_load %arg5[%swap3A_208, %swap3A_209] {strides = array<i32>} : memref<512x64xf32, #tpu.memory_space<vmem>>, vector<1x16xf32>,
      %swap3A_211 = vector.shape_cast %swap3A_210 : vector<1x16xf32> to vector<16xf32>
      %swap3A_212 = vector.shape_cast %get3A_205 : vector<16xf32> to vector<1x16xf32>
      tpu.vector_store %arg5[%swap3A_208, %swap3A_209], %swap3A_212 {strides = array<i32>} : memref<512x64xf32, #tpu.memory_space<vmem>>, vector<1x16xf32>,
      %mul3A_213 = arith.constant 64 : i32
      %mul3A_214 = arith.muli %scan3A_172, %mul3A_213 : i32
      %add3A_215 = arith.constant 48 : i32
      %add3A_216 = arith.addi %mul3A_214, %add3A_215 : i32
      %get3A_217 = arith.index_cast %add3A_216 : i32 to index
      %get3A_218 = tpu.vector_load %arg7[%get3A_217] {strides = array<i32>} : memref<4096xf32, #tpu.memory_space<vmem>>, vector<16xf32>,
      %get3A_219 = vector.shape_cast %get3A_218 : vector<16xf32> to vector<16xf32>
      %add3A_220 = arith.constant 0 : i32
      %add3A_221 = arith.addi %add3A_220, %scan3A_172 : i32
      %swap3A_222 = arith.index_cast %add3A_221 : i32 to index
      %swap3A_223 = arith.constant 48 : index
      %swap3A_224 = tpu.vector_load %arg5[%swap3A_222, %swap3A_223] {strides = array<i32>} : memref<512x64xf32, #tpu.memory_space<vmem>>, vector<1x16xf32>,
      %swap3A_225 = vector.shape_cast %swap3A_224 : vector<1x16xf32> to vector<16xf32>
      %swap3A_226 = vector.shape_cast %get3A_219 : vector<16xf32> to vector<1x16xf32>
      tpu.vector_store %arg5[%swap3A_222, %swap3A_223], %swap3A_226 {strides = array<i32>} : memref<512x64xf32, #tpu.memory_space<vmem>>, vector<1x16xf32>,
    }
    %scan3A_41 = arith.constant 64 : i32
    %scan3A_42 = arith.constant 0 : i32
    %scan3A_43 = arith.constant 0 : i32
    %scan3A_44 = arith.constant 64 : i32
    %scan3A_45 = arith.addi %scan3A_43, %scan3A_44 : i32
    %scan3A_46 = arith.constant 1 : i32
    scf.for %scan3A_172 = %scan3A_43 to %scan3A_45 step %scan3A_46  : i32 {
      %add3A_173 = arith.constant 128 : i32
      %add3A_174 = arith.addi %add3A_173, %scan3A_172 : i32
      %get3A = tpu.memref_bitcast %arg5 : memref<512x64xf32, #tpu.memory_space<vmem>> -> memref<512x64xi32, #tpu.memory_space<vmem>>
      %get3A_175 = arith.index_cast %add3A_174 : i32 to index
      %get3A_176 = arith.constant 0 : index
      %get3A_177 = tpu.vector_load %get3A[%get3A_175, %get3A_176] {strides = array<i32>} : memref<512x64xi32, #tpu.memory_space<vmem>>, vector<1x16xi32>,
      %get3A_178 = vector.shape_cast %get3A_177 : vector<1x16xi32> to vector<16xi32>
      %mul3A_179 = arith.constant 64 : i32
      %mul3A_180 = vector.broadcast %mul3A_179 : i32 to vector<16xi32>
      %mul3A_181 = arith.muli %get3A_178, %mul3A_180 : vector<16xi32>
      %add3A_182 = arith.addi %mul3A_181, %add3A_5 : vector<16xi32>
      %mul3A_183 = arith.constant 64 : i32
      %mul3A_184 = arith.muli %add3A_174, %mul3A_183 : i32
      %add3A_185 = arith.constant 0 : i32
      %add3A_186 = arith.addi %mul3A_184, %add3A_185 : i32
      %swap3A = arith.index_cast %add3A_186 : i32 to index
      %swap3A_187 = tpu.vector_load %arg6[%swap3A] {strides = array<i32>} : memref<32768xi32, #tpu.memory_space<vmem>>, vector<16xi32>,
      %swap3A_188 = vector.shape_cast %swap3A_187 : vector<16xi32> to vector<16xi32>
      %swap3A_189 = vector.shape_cast %add3A_182 : vector<16xi32> to vector<16xi32>
      tpu.vector_store %arg6[%swap3A], %swap3A_189 {strides = array<i32>} : memref<32768xi32, #tpu.memory_space<vmem>>, vector<16xi32>,
      %get3A_190 = tpu.memref_bitcast %arg5 : memref<512x64xf32, #tpu.memory_space<vmem>> -> memref<512x64xi32, #tpu.memory_space<vmem>>
      %get3A_191 = arith.index_cast %add3A_174 : i32 to index
      %get3A_192 = arith.constant 16 : index
      %get3A_193 = tpu.vector_load %get3A_190[%get3A_191, %get3A_192] {strides = array<i32>} : memref<512x64xi32, #tpu.memory_space<vmem>>, vector<1x16xi32>,
      %get3A_194 = vector.shape_cast %get3A_193 : vector<1x16xi32> to vector<16xi32>
      %mul3A_195 = arith.constant 64 : i32
      %mul3A_196 = vector.broadcast %mul3A_195 : i32 to vector<16xi32>
      %mul3A_197 = arith.muli %get3A_194, %mul3A_196 : vector<16xi32>
      %add3A_198 = arith.addi %mul3A_197, %add3A_8 : vector<16xi32>
      %mul3A_199 = arith.constant 64 : i32
      %mul3A_200 = arith.muli %add3A_174, %mul3A_199 : i32
      %add3A_201 = arith.constant 16 : i32
      %add3A_202 = arith.addi %mul3A_200, %add3A_201 : i32
      %swap3A_203 = arith.index_cast %add3A_202 : i32 to index
      %swap3A_204 = tpu.vector_load %arg6[%swap3A_203] {strides = array<i32>} : memref<32768xi32, #tpu.memory_space<vmem>>, vector<16xi32>,
      %swap3A_205 = vector.shape_cast %swap3A_204 : vector<16xi32> to vector<16xi32>
      %swap3A_206 = vector.shape_cast %add3A_198 : vector<16xi32> to vector<16xi32>
      tpu.vector_store %arg6[%swap3A_203], %swap3A_206 {strides = array<i32>} : memref<32768xi32, #tpu.memory_space<vmem>>, vector<16xi32>,
      %get3A_207 = tpu.memref_bitcast %arg5 : memref<512x64xf32, #tpu.memory_space<vmem>> -> memref<512x64xi32, #tpu.memory_space<vmem>>
      %get3A_208 = arith.index_cast %add3A_174 : i32 to index
      %get3A_209 = arith.constant 32 : index
      %get3A_210 = tpu.vector_load %get3A_207[%get3A_208, %get3A_209] {strides = array<i32>} : memref<512x64xi32, #tpu.memory_space<vmem>>, vector<1x16xi32>,
      %get3A_211 = vector.shape_cast %get3A_210 : vector<1x16xi32> to vector<16xi32>
      %mul3A_212 = arith.constant 64 : i32
      %mul3A_213 = vector.broadcast %mul3A_212 : i32 to vector<16xi32>
      %mul3A_214 = arith.muli %get3A_211, %mul3A_213 : vector<16xi32>
      %add3A_215 = arith.addi %mul3A_214, %add3A_11 : vector<16xi32>
      %mul3A_216 = arith.constant 64 : i32
      %mul3A_217 = arith.muli %add3A_174, %mul3A_216 : i32
      %add3A_218 = arith.constant 32 : i32
      %add3A_219 = arith.addi %mul3A_217, %add3A_218 : i32
      %swap3A_220 = arith.index_cast %add3A_219 : i32 to index
      %swap3A_221 = tpu.vector_load %arg6[%swap3A_220] {strides = array<i32>} : memref<32768xi32, #tpu.memory_space<vmem>>, vector<16xi32>,
      %swap3A_222 = vector.shape_cast %swap3A_221 : vector<16xi32> to vector<16xi32>
      %swap3A_223 = vector.shape_cast %add3A_215 : vector<16xi32> to vector<16xi32>
      tpu.vector_store %arg6[%swap3A_220], %swap3A_223 {strides = array<i32>} : memref<32768xi32, #tpu.memory_space<vmem>>, vector<16xi32>,
      %get3A_224 = tpu.memref_bitcast %arg5 : memref<512x64xf32, #tpu.memory_space<vmem>> -> memref<512x64xi32, #tpu.memory_space<vmem>>
      %get3A_225 = arith.index_cast %add3A_174 : i32 to index
      %get3A_226 = arith.constant 48 : index
      %get3A_227 = tpu.vector_load %get3A_224[%get3A_225, %get3A_226] {strides = array<i32>} : memref<512x64xi32, #tpu.memory_space<vmem>>, vector<1x16xi32>,
      %get3A_228 = vector.shape_cast %get3A_227 : vector<1x16xi32> to vector<16xi32>
      %mul3A_229 = arith.constant 64 : i32
      %mul3A_230 = vector.broadcast %mul3A_229 : i32 to vector<16xi32>
      %mul3A_231 = arith.muli %get3A_228, %mul3A_230 : vector<16xi32>
      %add3A_232 = arith.addi %mul3A_231, %add3A_14 : vector<16xi32>
      %mul3A_233 = arith.constant 64 : i32
      %mul3A_234 = arith.muli %add3A_174, %mul3A_233 : i32
      %add3A_235 = arith.constant 48 : i32
      %add3A_236 = arith.addi %mul3A_234, %add3A_235 : i32
      %swap3A_237 = arith.index_cast %add3A_236 : i32 to index
      %swap3A_238 = tpu.vector_load %arg6[%swap3A_237] {strides = array<i32>} : memref<32768xi32, #tpu.memory_space<vmem>>, vector<16xi32>,
      %swap3A_239 = vector.shape_cast %swap3A_238 : vector<16xi32> to vector<16xi32>
      %swap3A_240 = vector.shape_cast %add3A_232 : vector<16xi32> to vector<16xi32>
      tpu.vector_store %arg6[%swap3A_237], %swap3A_240 {strides = array<i32>} : memref<32768xi32, #tpu.memory_space<vmem>>, vector<16xi32>,
    }
    %scan3A_47 = arith.constant 64 : i32
    %dma_start3A_48 = arith.constant 8192 : i32
    %dma_start3A_49 = tpu.memref_slice %arg6[%dma_start3A_48] : memref<32768xi32, #tpu.memory_space<vmem>> -> memref<4096xi32, #tpu.memory_space<vmem>>
    %dma_start3A_50 = arith.constant 0 : i32
    %dma_start3A_51 = tpu.memref_slice %arg2[%dma_start3A_50] : memref<64000000xf32, #tpu.memory_space<hbm>> -> memref<64000000xf32, #tpu.memory_space<hbm>>
    tpu.enqueue_indirect_dma source(%dma_start3A_51 : memref<64000000xf32, #tpu.memory_space<hbm>>) target(%arg7 : memref<4096xf32, #tpu.memory_space<vmem>>) offsets(%dma_start3A_49 : memref<4096xi32, #tpu.memory_space<vmem>>) semaphore(%arg9 : memref<!tpu.dma_semaphore, #tpu.memory_space<semaphore_mem>>)
    %dma_wait3A_52 = arith.constant 4096 : i32
    %dma_wait3A_53 = tpu.memref_slice %arg6[%dma_wait3A_52] : memref<32768xi32, #tpu.memory_space<vmem>> -> memref<4096xi32, #tpu.memory_space<vmem>>
    %dma_wait3A_54 = arith.constant 0 : i32
    %dma_wait3A_55 = tpu.memref_slice %arg2[%dma_wait3A_54] : memref<64000000xf32, #tpu.memory_space<hbm>> -> memref<64000000xf32, #tpu.memory_space<hbm>>
    tpu.wait_indirect_dma semaphore(%arg10 : memref<!tpu.dma_semaphore, #tpu.memory_space<semaphore_mem>>) src(%dma_wait3A_55 : memref<64000000xf32, #tpu.memory_space<hbm>>) dst(%arg8 : memref<4096xf32, #tpu.memory_space<vmem>>)
    %scan3A_56 = arith.constant 0 : i32
    %scan3A_57 = arith.constant 0 : i32
    %scan3A_58 = arith.constant 64 : i32
    %scan3A_59 = arith.addi %scan3A_57, %scan3A_58 : i32
    %scan3A_60 = arith.constant 1 : i32
    scf.for %scan3A_172 = %scan3A_57 to %scan3A_59 step %scan3A_60  : i32 {
      %mul3A_173 = arith.constant 64 : i32
      %mul3A_174 = arith.muli %scan3A_172, %mul3A_173 : i32
      %add3A_175 = arith.constant 0 : i32
      %add3A_176 = arith.addi %mul3A_174, %add3A_175 : i32
      %get3A = arith.index_cast %add3A_176 : i32 to index
      %get3A_177 = tpu.vector_load %arg8[%get3A] {strides = array<i32>} : memref<4096xf32, #tpu.memory_space<vmem>>, vector<16xf32>,
      %get3A_178 = vector.shape_cast %get3A_177 : vector<16xf32> to vector<16xf32>
      %add3A_179 = arith.constant 64 : i32
      %add3A_180 = arith.addi %add3A_179, %scan3A_172 : i32
      %swap3A = arith.index_cast %add3A_180 : i32 to index
      %swap3A_181 = arith.constant 0 : index
      %swap3A_182 = tpu.vector_load %arg5[%swap3A, %swap3A_181] {strides = array<i32>} : memref<512x64xf32, #tpu.memory_space<vmem>>, vector<1x16xf32>,
      %swap3A_183 = vector.shape_cast %swap3A_182 : vector<1x16xf32> to vector<16xf32>
      %swap3A_184 = vector.shape_cast %get3A_178 : vector<16xf32> to vector<1x16xf32>
      tpu.vector_store %arg5[%swap3A, %swap3A_181], %swap3A_184 {strides = array<i32>} : memref<512x64xf32, #tpu.memory_space<vmem>>, vector<1x16xf32>,
      %mul3A_185 = arith.constant 64 : i32
      %mul3A_186 = arith.muli %scan3A_172, %mul3A_185 : i32
      %add3A_187 = arith.constant 16 : i32
      %add3A_188 = arith.addi %mul3A_186, %add3A_187 : i32
      %get3A_189 = arith.index_cast %add3A_188 : i32 to index
      %get3A_190 = tpu.vector_load %arg8[%get3A_189] {strides = array<i32>} : memref<4096xf32, #tpu.memory_space<vmem>>, vector<16xf32>,
      %get3A_191 = vector.shape_cast %get3A_190 : vector<16xf32> to vector<16xf32>
      %add3A_192 = arith.constant 64 : i32
      %add3A_193 = arith.addi %add3A_192, %scan3A_172 : i32
      %swap3A_194 = arith.index_cast %add3A_193 : i32 to index
      %swap3A_195 = arith.constant 16 : index
      %swap3A_196 = tpu.vector_load %arg5[%swap3A_194, %swap3A_195] {strides = array<i32>} : memref<512x64xf32, #tpu.memory_space<vmem>>, vector<1x16xf32>,
      %swap3A_197 = vector.shape_cast %swap3A_196 : vector<1x16xf32> to vector<16xf32>
      %swap3A_198 = vector.shape_cast %get3A_191 : vector<16xf32> to vector<1x16xf32>
      tpu.vector_store %arg5[%swap3A_194, %swap3A_195], %swap3A_198 {strides = array<i32>} : memref<512x64xf32, #tpu.memory_space<vmem>>, vector<1x16xf32>,
      %mul3A_199 = arith.constant 64 : i32
      %mul3A_200 = arith.muli %scan3A_172, %mul3A_199 : i32
      %add3A_201 = arith.constant 32 : i32
      %add3A_202 = arith.addi %mul3A_200, %add3A_201 : i32
      %get3A_203 = arith.index_cast %add3A_202 : i32 to index
      %get3A_204 = tpu.vector_load %arg8[%get3A_203] {strides = array<i32>} : memref<4096xf32, #tpu.memory_space<vmem>>, vector<16xf32>,
      %get3A_205 = vector.shape_cast %get3A_204 : vector<16xf32> to vector<16xf32>
      %add3A_206 = arith.constant 64 : i32
      %add3A_207 = arith.addi %add3A_206, %scan3A_172 : i32
      %swap3A_208 = arith.index_cast %add3A_207 : i32 to index
      %swap3A_209 = arith.constant 32 : index
      %swap3A_210 = tpu.vector_load %arg5[%swap3A_208, %swap3A_209] {strides = array<i32>} : memref<512x64xf32, #tpu.memory_space<vmem>>, vector<1x16xf32>,
      %swap3A_211 = vector.shape_cast %swap3A_210 : vector<1x16xf32> to vector<16xf32>
      %swap3A_212 = vector.shape_cast %get3A_205 : vector<16xf32> to vector<1x16xf32>
      tpu.vector_store %arg5[%swap3A_208, %swap3A_209], %swap3A_212 {strides = array<i32>} : memref<512x64xf32, #tpu.memory_space<vmem>>, vector<1x16xf32>,
      %mul3A_213 = arith.constant 64 : i32
      %mul3A_214 = arith.muli %scan3A_172, %mul3A_213 : i32
      %add3A_215 = arith.constant 48 : i32
      %add3A_216 = arith.addi %mul3A_214, %add3A_215 : i32
      %get3A_217 = arith.index_cast %add3A_216 : i32 to index
      %get3A_218 = tpu.vector_load %arg8[%get3A_217] {strides = array<i32>} : memref<4096xf32, #tpu.memory_space<vmem>>, vector<16xf32>,
      %get3A_219 = vector.shape_cast %get3A_218 : vector<16xf32> to vector<16xf32>
      %add3A_220 = arith.constant 64 : i32
      %add3A_221 = arith.addi %add3A_220, %scan3A_172 : i32
      %swap3A_222 = arith.index_cast %add3A_221 : i32 to index
      %swap3A_223 = arith.constant 48 : index
      %swap3A_224 = tpu.vector_load %arg5[%swap3A_222, %swap3A_223] {strides = array<i32>} : memref<512x64xf32, #tpu.memory_space<vmem>>, vector<1x16xf32>,
      %swap3A_225 = vector.shape_cast %swap3A_224 : vector<1x16xf32> to vector<16xf32>
      %swap3A_226 = vector.shape_cast %get3A_219 : vector<16xf32> to vector<1x16xf32>
      tpu.vector_store %arg5[%swap3A_222, %swap3A_223], %swap3A_226 {strides = array<i32>} : memref<512x64xf32, #tpu.memory_space<vmem>>, vector<1x16xf32>,
    }
    %scan3A_61 = arith.constant 64 : i32
    %scan3A_62 = arith.constant 0 : i32
    %scan3A_63 = arith.constant 0 : i32
    %scan3A_64 = arith.constant 64 : i32
    %scan3A_65 = arith.addi %scan3A_63, %scan3A_64 : i32
    %scan3A_66 = arith.constant 1 : i32
    scf.for %scan3A_172 = %scan3A_63 to %scan3A_65 step %scan3A_66  : i32 {
      %add3A_173 = arith.constant 192 : i32
      %add3A_174 = arith.addi %add3A_173, %scan3A_172 : i32
      %get3A = tpu.memref_bitcast %arg5 : memref<512x64xf32, #tpu.memory_space<vmem>> -> memref<512x64xi32, #tpu.memory_space<vmem>>
      %get3A_175 = arith.index_cast %add3A_174 : i32 to index
      %get3A_176 = arith.constant 0 : index
      %get3A_177 = tpu.vector_load %get3A[%get3A_175, %get3A_176] {strides = array<i32>} : memref<512x64xi32, #tpu.memory_space<vmem>>, vector<1x16xi32>,
      %get3A_178 = vector.shape_cast %get3A_177 : vector<1x16xi32> to vector<16xi32>
      %mul3A_179 = arith.constant 64 : i32
      %mul3A_180 = vector.broadcast %mul3A_179 : i32 to vector<16xi32>
      %mul3A_181 = arith.muli %get3A_178, %mul3A_180 : vector<16xi32>
      %add3A_182 = arith.addi %mul3A_181, %add3A_5 : vector<16xi32>
      %mul3A_183 = arith.constant 64 : i32
      %mul3A_184 = arith.muli %add3A_174, %mul3A_183 : i32
      %add3A_185 = arith.constant 0 : i32
      %add3A_186 = arith.addi %mul3A_184, %add3A_185 : i32
      %swap3A = arith.index_cast %add3A_186 : i32 to index
      %swap3A_187 = tpu.vector_load %arg6[%swap3A] {strides = array<i32>} : memref<32768xi32, #tpu.memory_space<vmem>>, vector<16xi32>,
      %swap3A_188 = vector.shape_cast %swap3A_187 : vector<16xi32> to vector<16xi32>
      %swap3A_189 = vector.shape_cast %add3A_182 : vector<16xi32> to vector<16xi32>
      tpu.vector_store %arg6[%swap3A], %swap3A_189 {strides = array<i32>} : memref<32768xi32, #tpu.memory_space<vmem>>, vector<16xi32>,
      %get3A_190 = tpu.memref_bitcast %arg5 : memref<512x64xf32, #tpu.memory_space<vmem>> -> memref<512x64xi32, #tpu.memory_space<vmem>>
      %get3A_191 = arith.index_cast %add3A_174 : i32 to index
      %get3A_192 = arith.constant 16 : index
      %get3A_193 = tpu.vector_load %get3A_190[%get3A_191, %get3A_192] {strides = array<i32>} : memref<512x64xi32, #tpu.memory_space<vmem>>, vector<1x16xi32>,
      %get3A_194 = vector.shape_cast %get3A_193 : vector<1x16xi32> to vector<16xi32>
      %mul3A_195 = arith.constant 64 : i32
      %mul3A_196 = vector.broadcast %mul3A_195 : i32 to vector<16xi32>
      %mul3A_197 = arith.muli %get3A_194, %mul3A_196 : vector<16xi32>
      %add3A_198 = arith.addi %mul3A_197, %add3A_8 : vector<16xi32>
      %mul3A_199 = arith.constant 64 : i32
      %mul3A_200 = arith.muli %add3A_174, %mul3A_199 : i32
      %add3A_201 = arith.constant 16 : i32
      %add3A_202 = arith.addi %mul3A_200, %add3A_201 : i32
      %swap3A_203 = arith.index_cast %add3A_202 : i32 to index
      %swap3A_204 = tpu.vector_load %arg6[%swap3A_203] {strides = array<i32>} : memref<32768xi32, #tpu.memory_space<vmem>>, vector<16xi32>,
      %swap3A_205 = vector.shape_cast %swap3A_204 : vector<16xi32> to vector<16xi32>
      %swap3A_206 = vector.shape_cast %add3A_198 : vector<16xi32> to vector<16xi32>
      tpu.vector_store %arg6[%swap3A_203], %swap3A_206 {strides = array<i32>} : memref<32768xi32, #tpu.memory_space<vmem>>, vector<16xi32>,
      %get3A_207 = tpu.memref_bitcast %arg5 : memref<512x64xf32, #tpu.memory_space<vmem>> -> memref<512x64xi32, #tpu.memory_space<vmem>>
      %get3A_208 = arith.index_cast %add3A_174 : i32 to index
      %get3A_209 = arith.constant 32 : index
      %get3A_210 = tpu.vector_load %get3A_207[%get3A_208, %get3A_209] {strides = array<i32>} : memref<512x64xi32, #tpu.memory_space<vmem>>, vector<1x16xi32>,
      %get3A_211 = vector.shape_cast %get3A_210 : vector<1x16xi32> to vector<16xi32>
      %mul3A_212 = arith.constant 64 : i32
      %mul3A_213 = vector.broadcast %mul3A_212 : i32 to vector<16xi32>
      %mul3A_214 = arith.muli %get3A_211, %mul3A_213 : vector<16xi32>
      %add3A_215 = arith.addi %mul3A_214, %add3A_11 : vector<16xi32>
      %mul3A_216 = arith.constant 64 : i32
      %mul3A_217 = arith.muli %add3A_174, %mul3A_216 : i32
      %add3A_218 = arith.constant 32 : i32
      %add3A_219 = arith.addi %mul3A_217, %add3A_218 : i32
      %swap3A_220 = arith.index_cast %add3A_219 : i32 to index
      %swap3A_221 = tpu.vector_load %arg6[%swap3A_220] {strides = array<i32>} : memref<32768xi32, #tpu.memory_space<vmem>>, vector<16xi32>,
      %swap3A_222 = vector.shape_cast %swap3A_221 : vector<16xi32> to vector<16xi32>
      %swap3A_223 = vector.shape_cast %add3A_215 : vector<16xi32> to vector<16xi32>
      tpu.vector_store %arg6[%swap3A_220], %swap3A_223 {strides = array<i32>} : memref<32768xi32, #tpu.memory_space<vmem>>, vector<16xi32>,
      %get3A_224 = tpu.memref_bitcast %arg5 : memref<512x64xf32, #tpu.memory_space<vmem>> -> memref<512x64xi32, #tpu.memory_space<vmem>>
      %get3A_225 = arith.index_cast %add3A_174 : i32 to index
      %get3A_226 = arith.constant 48 : index
      %get3A_227 = tpu.vector_load %get3A_224[%get3A_225, %get3A_226] {strides = array<i32>} : memref<512x64xi32, #tpu.memory_space<vmem>>, vector<1x16xi32>,
      %get3A_228 = vector.shape_cast %get3A_227 : vector<1x16xi32> to vector<16xi32>
      %mul3A_229 = arith.constant 64 : i32
      %mul3A_230 = vector.broadcast %mul3A_229 : i32 to vector<16xi32>
      %mul3A_231 = arith.muli %get3A_228, %mul3A_230 : vector<16xi32>
      %add3A_232 = arith.addi %mul3A_231, %add3A_14 : vector<16xi32>
      %mul3A_233 = arith.constant 64 : i32
      %mul3A_234 = arith.muli %add3A_174, %mul3A_233 : i32
      %add3A_235 = arith.constant 48 : i32
      %add3A_236 = arith.addi %mul3A_234, %add3A_235 : i32
      %swap3A_237 = arith.index_cast %add3A_236 : i32 to index
      %swap3A_238 = tpu.vector_load %arg6[%swap3A_237] {strides = array<i32>} : memref<32768xi32, #tpu.memory_space<vmem>>, vector<16xi32>,
      %swap3A_239 = vector.shape_cast %swap3A_238 : vector<16xi32> to vector<16xi32>
      %swap3A_240 = vector.shape_cast %add3A_232 : vector<16xi32> to vector<16xi32>
      tpu.vector_store %arg6[%swap3A_237], %swap3A_240 {strides = array<i32>} : memref<32768xi32, #tpu.memory_space<vmem>>, vector<16xi32>,
    }
    %scan3A_67 = arith.constant 64 : i32
    %dma_start3A_68 = arith.constant 12288 : i32
    %dma_start3A_69 = tpu.memref_slice %arg6[%dma_start3A_68] : memref<32768xi32, #tpu.memory_space<vmem>> -> memref<4096xi32, #tpu.memory_space<vmem>>
    %dma_start3A_70 = arith.constant 0 : i32
    %dma_start3A_71 = tpu.memref_slice %arg2[%dma_start3A_70] : memref<64000000xf32, #tpu.memory_space<hbm>> -> memref<64000000xf32, #tpu.memory_space<hbm>>
    tpu.enqueue_indirect_dma source(%dma_start3A_71 : memref<64000000xf32, #tpu.memory_space<hbm>>) target(%arg8 : memref<4096xf32, #tpu.memory_space<vmem>>) offsets(%dma_start3A_69 : memref<4096xi32, #tpu.memory_space<vmem>>) semaphore(%arg10 : memref<!tpu.dma_semaphore, #tpu.memory_space<semaphore_mem>>)
    %dma_wait3A_72 = arith.constant 8192 : i32
    %dma_wait3A_73 = tpu.memref_slice %arg6[%dma_wait3A_72] : memref<32768xi32, #tpu.memory_space<vmem>> -> memref<4096xi32, #tpu.memory_space<vmem>>
    %dma_wait3A_74 = arith.constant 0 : i32
    %dma_wait3A_75 = tpu.memref_slice %arg2[%dma_wait3A_74] : memref<64000000xf32, #tpu.memory_space<hbm>> -> memref<64000000xf32, #tpu.memory_space<hbm>>
    tpu.wait_indirect_dma semaphore(%arg9 : memref<!tpu.dma_semaphore, #tpu.memory_space<semaphore_mem>>) src(%dma_wait3A_75 : memref<64000000xf32, #tpu.memory_space<hbm>>) dst(%arg7 : memref<4096xf32, #tpu.memory_space<vmem>>)
    %scan3A_76 = arith.constant 0 : i32
    %scan3A_77 = arith.constant 0 : i32
    %scan3A_78 = arith.constant 64 : i32
    %scan3A_79 = arith.addi %scan3A_77, %scan3A_78 : i32
    %scan3A_80 = arith.constant 1 : i32
    scf.for %scan3A_172 = %scan3A_77 to %scan3A_79 step %scan3A_80  : i32 {
      %mul3A_173 = arith.constant 64 : i32
      %mul3A_174 = arith.muli %scan3A_172, %mul3A_173 : i32
      %add3A_175 = arith.constant 0 : i32
      %add3A_176 = arith.addi %mul3A_174, %add3A_175 : i32
      %get3A = arith.index_cast %add3A_176 : i32 to index
      %get3A_177 = tpu.vector_load %arg7[%get3A] {strides = array<i32>} : memref<4096xf32, #tpu.memory_space<vmem>>, vector<16xf32>,
      %get3A_178 = vector.shape_cast %get3A_177 : vector<16xf32> to vector<16xf32>
      %add3A_179 = arith.constant 128 : i32
      %add3A_180 = arith.addi %add3A_179, %scan3A_172 : i32
      %swap3A = arith.index_cast %add3A_180 : i32 to index
      %swap3A_181 = arith.constant 0 : index
      %swap3A_182 = tpu.vector_load %arg5[%swap3A, %swap3A_181] {strides = array<i32>} : memref<512x64xf32, #tpu.memory_space<vmem>>, vector<1x16xf32>,
      %swap3A_183 = vector.shape_cast %swap3A_182 : vector<1x16xf32> to vector<16xf32>
      %swap3A_184 = vector.shape_cast %get3A_178 : vector<16xf32> to vector<1x16xf32>
      tpu.vector_store %arg5[%swap3A, %swap3A_181], %swap3A_184 {strides = array<i32>} : memref<512x64xf32, #tpu.memory_space<vmem>>, vector<1x16xf32>,
      %mul3A_185 = arith.constant 64 : i32
      %mul3A_186 = arith.muli %scan3A_172, %mul3A_185 : i32
      %add3A_187 = arith.constant 16 : i32
      %add3A_188 = arith.addi %mul3A_186, %add3A_187 : i32
      %get3A_189 = arith.index_cast %add3A_188 : i32 to index
      %get3A_190 = tpu.vector_load %arg7[%get3A_189] {strides = array<i32>} : memref<4096xf32, #tpu.memory_space<vmem>>, vector<16xf32>,
      %get3A_191 = vector.shape_cast %get3A_190 : vector<16xf32> to vector<16xf32>
      %add3A_192 = arith.constant 128 : i32
      %add3A_193 = arith.addi %add3A_192, %scan3A_172 : i32
      %swap3A_194 = arith.index_cast %add3A_193 : i32 to index
      %swap3A_195 = arith.constant 16 : index
      %swap3A_196 = tpu.vector_load %arg5[%swap3A_194, %swap3A_195] {strides = array<i32>} : memref<512x64xf32, #tpu.memory_space<vmem>>, vector<1x16xf32>,
      %swap3A_197 = vector.shape_cast %swap3A_196 : vector<1x16xf32> to vector<16xf32>
      %swap3A_198 = vector.shape_cast %get3A_191 : vector<16xf32> to vector<1x16xf32>
      tpu.vector_store %arg5[%swap3A_194, %swap3A_195], %swap3A_198 {strides = array<i32>} : memref<512x64xf32, #tpu.memory_space<vmem>>, vector<1x16xf32>,
      %mul3A_199 = arith.constant 64 : i32
      %mul3A_200 = arith.muli %scan3A_172, %mul3A_199 : i32
      %add3A_201 = arith.constant 32 : i32
      %add3A_202 = arith.addi %mul3A_200, %add3A_201 : i32
      %get3A_203 = arith.index_cast %add3A_202 : i32 to index
      %get3A_204 = tpu.vector_load %arg7[%get3A_203] {strides = array<i32>} : memref<4096xf32, #tpu.memory_space<vmem>>, vector<16xf32>,
      %get3A_205 = vector.shape_cast %get3A_204 : vector<16xf32> to vector<16xf32>
      %add3A_206 = arith.constant 128 : i32
      %add3A_207 = arith.addi %add3A_206, %scan3A_172 : i32
      %swap3A_208 = arith.index_cast %add3A_207 : i32 to index
      %swap3A_209 = arith.constant 32 : index
      %swap3A_210 = tpu.vector_load %arg5[%swap3A_208, %swap3A_209] {strides = array<i32>} : memref<512x64xf32, #tpu.memory_space<vmem>>, vector<1x16xf32>,
      %swap3A_211 = vector.shape_cast %swap3A_210 : vector<1x16xf32> to vector<16xf32>
      %swap3A_212 = vector.shape_cast %get3A_205 : vector<16xf32> to vector<1x16xf32>
      tpu.vector_store %arg5[%swap3A_208, %swap3A_209], %swap3A_212 {strides = array<i32>} : memref<512x64xf32, #tpu.memory_space<vmem>>, vector<1x16xf32>,
      %mul3A_213 = arith.constant 64 : i32
      %mul3A_214 = arith.muli %scan3A_172, %mul3A_213 : i32
      %add3A_215 = arith.constant 48 : i32
      %add3A_216 = arith.addi %mul3A_214, %add3A_215 : i32
      %get3A_217 = arith.index_cast %add3A_216 : i32 to index
      %get3A_218 = tpu.vector_load %arg7[%get3A_217] {strides = array<i32>} : memref<4096xf32, #tpu.memory_space<vmem>>, vector<16xf32>,
      %get3A_219 = vector.shape_cast %get3A_218 : vector<16xf32> to vector<16xf32>
      %add3A_220 = arith.constant 128 : i32
      %add3A_221 = arith.addi %add3A_220, %scan3A_172 : i32
      %swap3A_222 = arith.index_cast %add3A_221 : i32 to index
      %swap3A_223 = arith.constant 48 : index
      %swap3A_224 = tpu.vector_load %arg5[%swap3A_222, %swap3A_223] {strides = array<i32>} : memref<512x64xf32, #tpu.memory_space<vmem>>, vector<1x16xf32>,
      %swap3A_225 = vector.shape_cast %swap3A_224 : vector<1x16xf32> to vector<16xf32>
      %swap3A_226 = vector.shape_cast %get3A_219 : vector<16xf32> to vector<1x16xf32>
      tpu.vector_store %arg5[%swap3A_222, %swap3A_223], %swap3A_226 {strides = array<i32>} : memref<512x64xf32, #tpu.memory_space<vmem>>, vector<1x16xf32>,
    }
    %scan3A_81 = arith.constant 64 : i32
    %scan3A_82 = arith.constant 0 : i32
    %scan3A_83 = arith.constant 0 : i32
    %scan3A_84 = arith.constant 64 : i32
    %scan3A_85 = arith.addi %scan3A_83, %scan3A_84 : i32
    %scan3A_86 = arith.constant 1 : i32
    scf.for %scan3A_172 = %scan3A_83 to %scan3A_85 step %scan3A_86  : i32 {
      %add3A_173 = arith.constant 256 : i32
      %add3A_174 = arith.addi %add3A_173, %scan3A_172 : i32
      %get3A = tpu.memref_bitcast %arg5 : memref<512x64xf32, #tpu.memory_space<vmem>> -> memref<512x64xi32, #tpu.memory_space<vmem>>
      %get3A_175 = arith.index_cast %add3A_174 : i32 to index
      %get3A_176 = arith.constant 0 : index
      %get3A_177 = tpu.vector_load %get3A[%get3A_175, %get3A_176] {strides = array<i32>} : memref<512x64xi32, #tpu.memory_space<vmem>>, vector<1x16xi32>,
      %get3A_178 = vector.shape_cast %get3A_177 : vector<1x16xi32> to vector<16xi32>
      %mul3A_179 = arith.constant 64 : i32
      %mul3A_180 = vector.broadcast %mul3A_179 : i32 to vector<16xi32>
      %mul3A_181 = arith.muli %get3A_178, %mul3A_180 : vector<16xi32>
      %add3A_182 = arith.addi %mul3A_181, %add3A_5 : vector<16xi32>
      %mul3A_183 = arith.constant 64 : i32
      %mul3A_184 = arith.muli %add3A_174, %mul3A_183 : i32
      %add3A_185 = arith.constant 0 : i32
      %add3A_186 = arith.addi %mul3A_184, %add3A_185 : i32
      %swap3A = arith.index_cast %add3A_186 : i32 to index
      %swap3A_187 = tpu.vector_load %arg6[%swap3A] {strides = array<i32>} : memref<32768xi32, #tpu.memory_space<vmem>>, vector<16xi32>,
      %swap3A_188 = vector.shape_cast %swap3A_187 : vector<16xi32> to vector<16xi32>
      %swap3A_189 = vector.shape_cast %add3A_182 : vector<16xi32> to vector<16xi32>
      tpu.vector_store %arg6[%swap3A], %swap3A_189 {strides = array<i32>} : memref<32768xi32, #tpu.memory_space<vmem>>, vector<16xi32>,
      %get3A_190 = tpu.memref_bitcast %arg5 : memref<512x64xf32, #tpu.memory_space<vmem>> -> memref<512x64xi32, #tpu.memory_space<vmem>>
      %get3A_191 = arith.index_cast %add3A_174 : i32 to index
      %get3A_192 = arith.constant 16 : index
      %get3A_193 = tpu.vector_load %get3A_190[%get3A_191, %get3A_192] {strides = array<i32>} : memref<512x64xi32, #tpu.memory_space<vmem>>, vector<1x16xi32>,
      %get3A_194 = vector.shape_cast %get3A_193 : vector<1x16xi32> to vector<16xi32>
      %mul3A_195 = arith.constant 64 : i32
      %mul3A_196 = vector.broadcast %mul3A_195 : i32 to vector<16xi32>
      %mul3A_197 = arith.muli %get3A_194, %mul3A_196 : vector<16xi32>
      %add3A_198 = arith.addi %mul3A_197, %add3A_8 : vector<16xi32>
      %mul3A_199 = arith.constant 64 : i32
      %mul3A_200 = arith.muli %add3A_174, %mul3A_199 : i32
      %add3A_201 = arith.constant 16 : i32
      %add3A_202 = arith.addi %mul3A_200, %add3A_201 : i32
      %swap3A_203 = arith.index_cast %add3A_202 : i32 to index
      %swap3A_204 = tpu.vector_load %arg6[%swap3A_203] {strides = array<i32>} : memref<32768xi32, #tpu.memory_space<vmem>>, vector<16xi32>,
      %swap3A_205 = vector.shape_cast %swap3A_204 : vector<16xi32> to vector<16xi32>
      %swap3A_206 = vector.shape_cast %add3A_198 : vector<16xi32> to vector<16xi32>
      tpu.vector_store %arg6[%swap3A_203], %swap3A_206 {strides = array<i32>} : memref<32768xi32, #tpu.memory_space<vmem>>, vector<16xi32>,
      %get3A_207 = tpu.memref_bitcast %arg5 : memref<512x64xf32, #tpu.memory_space<vmem>> -> memref<512x64xi32, #tpu.memory_space<vmem>>
      %get3A_208 = arith.index_cast %add3A_174 : i32 to index
      %get3A_209 = arith.constant 32 : index
      %get3A_210 = tpu.vector_load %get3A_207[%get3A_208, %get3A_209] {strides = array<i32>} : memref<512x64xi32, #tpu.memory_space<vmem>>, vector<1x16xi32>,
      %get3A_211 = vector.shape_cast %get3A_210 : vector<1x16xi32> to vector<16xi32>
      %mul3A_212 = arith.constant 64 : i32
      %mul3A_213 = vector.broadcast %mul3A_212 : i32 to vector<16xi32>
      %mul3A_214 = arith.muli %get3A_211, %mul3A_213 : vector<16xi32>
      %add3A_215 = arith.addi %mul3A_214, %add3A_11 : vector<16xi32>
      %mul3A_216 = arith.constant 64 : i32
      %mul3A_217 = arith.muli %add3A_174, %mul3A_216 : i32
      %add3A_218 = arith.constant 32 : i32
      %add3A_219 = arith.addi %mul3A_217, %add3A_218 : i32
      %swap3A_220 = arith.index_cast %add3A_219 : i32 to index
      %swap3A_221 = tpu.vector_load %arg6[%swap3A_220] {strides = array<i32>} : memref<32768xi32, #tpu.memory_space<vmem>>, vector<16xi32>,
      %swap3A_222 = vector.shape_cast %swap3A_221 : vector<16xi32> to vector<16xi32>
      %swap3A_223 = vector.shape_cast %add3A_215 : vector<16xi32> to vector<16xi32>
      tpu.vector_store %arg6[%swap3A_220], %swap3A_223 {strides = array<i32>} : memref<32768xi32, #tpu.memory_space<vmem>>, vector<16xi32>,
      %get3A_224 = tpu.memref_bitcast %arg5 : memref<512x64xf32, #tpu.memory_space<vmem>> -> memref<512x64xi32, #tpu.memory_space<vmem>>
      %get3A_225 = arith.index_cast %add3A_174 : i32 to index
      %get3A_226 = arith.constant 48 : index
      %get3A_227 = tpu.vector_load %get3A_224[%get3A_225, %get3A_226] {strides = array<i32>} : memref<512x64xi32, #tpu.memory_space<vmem>>, vector<1x16xi32>,
      %get3A_228 = vector.shape_cast %get3A_227 : vector<1x16xi32> to vector<16xi32>
      %mul3A_229 = arith.constant 64 : i32
      %mul3A_230 = vector.broadcast %mul3A_229 : i32 to vector<16xi32>
      %mul3A_231 = arith.muli %get3A_228, %mul3A_230 : vector<16xi32>
      %add3A_232 = arith.addi %mul3A_231, %add3A_14 : vector<16xi32>
      %mul3A_233 = arith.constant 64 : i32
      %mul3A_234 = arith.muli %add3A_174, %mul3A_233 : i32
      %add3A_235 = arith.constant 48 : i32
      %add3A_236 = arith.addi %mul3A_234, %add3A_235 : i32
      %swap3A_237 = arith.index_cast %add3A_236 : i32 to index
      %swap3A_238 = tpu.vector_load %arg6[%swap3A_237] {strides = array<i32>} : memref<32768xi32, #tpu.memory_space<vmem>>, vector<16xi32>,
      %swap3A_239 = vector.shape_cast %swap3A_238 : vector<16xi32> to vector<16xi32>
      %swap3A_240 = vector.shape_cast %add3A_232 : vector<16xi32> to vector<16xi32>
      tpu.vector_store %arg6[%swap3A_237], %swap3A_240 {strides = array<i32>} : memref<32768xi32, #tpu.memory_space<vmem>>, vector<16xi32>,
    }
    %scan3A_87 = arith.constant 64 : i32
    %dma_start3A_88 = arith.constant 16384 : i32
    %dma_start3A_89 = tpu.memref_slice %arg6[%dma_start3A_88] : memref<32768xi32, #tpu.memory_space<vmem>> -> memref<4096xi32, #tpu.memory_space<vmem>>
    %dma_start3A_90 = arith.constant 0 : i32
    %dma_start3A_91 = tpu.memref_slice %arg2[%dma_start3A_90] : memref<64000000xf32, #tpu.memory_space<hbm>> -> memref<64000000xf32, #tpu.memory_space<hbm>>
    tpu.enqueue_indirect_dma source(%dma_start3A_91 : memref<64000000xf32, #tpu.memory_space<hbm>>) target(%arg7 : memref<4096xf32, #tpu.memory_space<vmem>>) offsets(%dma_start3A_89 : memref<4096xi32, #tpu.memory_space<vmem>>) semaphore(%arg9 : memref<!tpu.dma_semaphore, #tpu.memory_space<semaphore_mem>>)
    %dma_wait3A_92 = arith.constant 12288 : i32
    %dma_wait3A_93 = tpu.memref_slice %arg6[%dma_wait3A_92] : memref<32768xi32, #tpu.memory_space<vmem>> -> memref<4096xi32, #tpu.memory_space<vmem>>
    %dma_wait3A_94 = arith.constant 0 : i32
    %dma_wait3A_95 = tpu.memref_slice %arg2[%dma_wait3A_94] : memref<64000000xf32, #tpu.memory_space<hbm>> -> memref<64000000xf32, #tpu.memory_space<hbm>>
    tpu.wait_indirect_dma semaphore(%arg10 : memref<!tpu.dma_semaphore, #tpu.memory_space<semaphore_mem>>) src(%dma_wait3A_95 : memref<64000000xf32, #tpu.memory_space<hbm>>) dst(%arg8 : memref<4096xf32, #tpu.memory_space<vmem>>)
    %scan3A_96 = arith.constant 0 : i32
    %scan3A_97 = arith.constant 0 : i32
    %scan3A_98 = arith.constant 64 : i32
    %scan3A_99 = arith.addi %scan3A_97, %scan3A_98 : i32
    %scan3A_100 = arith.constant 1 : i32
    scf.for %scan3A_172 = %scan3A_97 to %scan3A_99 step %scan3A_100  : i32 {
      %mul3A_173 = arith.constant 64 : i32
      %mul3A_174 = arith.muli %scan3A_172, %mul3A_173 : i32
      %add3A_175 = arith.constant 0 : i32
      %add3A_176 = arith.addi %mul3A_174, %add3A_175 : i32
      %get3A = arith.index_cast %add3A_176 : i32 to index
      %get3A_177 = tpu.vector_load %arg8[%get3A] {strides = array<i32>} : memref<4096xf32, #tpu.memory_space<vmem>>, vector<16xf32>,
      %get3A_178 = vector.shape_cast %get3A_177 : vector<16xf32> to vector<16xf32>
      %add3A_179 = arith.constant 192 : i32
      %add3A_180 = arith.addi %add3A_179, %scan3A_172 : i32
      %swap3A = arith.index_cast %add3A_180 : i32 to index
      %swap3A_181 = arith.constant 0 : index
      %swap3A_182 = tpu.vector_load %arg5[%swap3A, %swap3A_181] {strides = array<i32>} : memref<512x64xf32, #tpu.memory_space<vmem>>, vector<1x16xf32>,
      %swap3A_183 = vector.shape_cast %swap3A_182 : vector<1x16xf32> to vector<16xf32>
      %swap3A_184 = vector.shape_cast %get3A_178 : vector<16xf32> to vector<1x16xf32>
      tpu.vector_store %arg5[%swap3A, %swap3A_181], %swap3A_184 {strides = array<i32>} : memref<512x64xf32, #tpu.memory_space<vmem>>, vector<1x16xf32>,
      %mul3A_185 = arith.constant 64 : i32
      %mul3A_186 = arith.muli %scan3A_172, %mul3A_185 : i32
      %add3A_187 = arith.constant 16 : i32
      %add3A_188 = arith.addi %mul3A_186, %add3A_187 : i32
      %get3A_189 = arith.index_cast %add3A_188 : i32 to index
      %get3A_190 = tpu.vector_load %arg8[%get3A_189] {strides = array<i32>} : memref<4096xf32, #tpu.memory_space<vmem>>, vector<16xf32>,
      %get3A_191 = vector.shape_cast %get3A_190 : vector<16xf32> to vector<16xf32>
      %add3A_192 = arith.constant 192 : i32
      %add3A_193 = arith.addi %add3A_192, %scan3A_172 : i32
      %swap3A_194 = arith.index_cast %add3A_193 : i32 to index
      %swap3A_195 = arith.constant 16 : index
      %swap3A_196 = tpu.vector_load %arg5[%swap3A_194, %swap3A_195] {strides = array<i32>} : memref<512x64xf32, #tpu.memory_space<vmem>>, vector<1x16xf32>,
      %swap3A_197 = vector.shape_cast %swap3A_196 : vector<1x16xf32> to vector<16xf32>
      %swap3A_198 = vector.shape_cast %get3A_191 : vector<16xf32> to vector<1x16xf32>
      tpu.vector_store %arg5[%swap3A_194, %swap3A_195], %swap3A_198 {strides = array<i32>} : memref<512x64xf32, #tpu.memory_space<vmem>>, vector<1x16xf32>,
      %mul3A_199 = arith.constant 64 : i32
      %mul3A_200 = arith.muli %scan3A_172, %mul3A_199 : i32
      %add3A_201 = arith.constant 32 : i32
      %add3A_202 = arith.addi %mul3A_200, %add3A_201 : i32
      %get3A_203 = arith.index_cast %add3A_202 : i32 to index
      %get3A_204 = tpu.vector_load %arg8[%get3A_203] {strides = array<i32>} : memref<4096xf32, #tpu.memory_space<vmem>>, vector<16xf32>,
      %get3A_205 = vector.shape_cast %get3A_204 : vector<16xf32> to vector<16xf32>
      %add3A_206 = arith.constant 192 : i32
      %add3A_207 = arith.addi %add3A_206, %scan3A_172 : i32
      %swap3A_208 = arith.index_cast %add3A_207 : i32 to index
      %swap3A_209 = arith.constant 32 : index
      %swap3A_210 = tpu.vector_load %arg5[%swap3A_208, %swap3A_209] {strides = array<i32>} : memref<512x64xf32, #tpu.memory_space<vmem>>, vector<1x16xf32>,
      %swap3A_211 = vector.shape_cast %swap3A_210 : vector<1x16xf32> to vector<16xf32>
      %swap3A_212 = vector.shape_cast %get3A_205 : vector<16xf32> to vector<1x16xf32>
      tpu.vector_store %arg5[%swap3A_208, %swap3A_209], %swap3A_212 {strides = array<i32>} : memref<512x64xf32, #tpu.memory_space<vmem>>, vector<1x16xf32>,
      %mul3A_213 = arith.constant 64 : i32
      %mul3A_214 = arith.muli %scan3A_172, %mul3A_213 : i32
      %add3A_215 = arith.constant 48 : i32
      %add3A_216 = arith.addi %mul3A_214, %add3A_215 : i32
      %get3A_217 = arith.index_cast %add3A_216 : i32 to index
      %get3A_218 = tpu.vector_load %arg8[%get3A_217] {strides = array<i32>} : memref<4096xf32, #tpu.memory_space<vmem>>, vector<16xf32>,
      %get3A_219 = vector.shape_cast %get3A_218 : vector<16xf32> to vector<16xf32>
      %add3A_220 = arith.constant 192 : i32
      %add3A_221 = arith.addi %add3A_220, %scan3A_172 : i32
      %swap3A_222 = arith.index_cast %add3A_221 : i32 to index
      %swap3A_223 = arith.constant 48 : index
      %swap3A_224 = tpu.vector_load %arg5[%swap3A_222, %swap3A_223] {strides = array<i32>} : memref<512x64xf32, #tpu.memory_space<vmem>>, vector<1x16xf32>,
      %swap3A_225 = vector.shape_cast %swap3A_224 : vector<1x16xf32> to vector<16xf32>
      %swap3A_226 = vector.shape_cast %get3A_219 : vector<16xf32> to vector<1x16xf32>
      tpu.vector_store %arg5[%swap3A_222, %swap3A_223], %swap3A_226 {strides = array<i32>} : memref<512x64xf32, #tpu.memory_space<vmem>>, vector<1x16xf32>,
    }
    %scan3A_101 = arith.constant 64 : i32
    %scan3A_102 = arith.constant 0 : i32
    %scan3A_103 = arith.constant 0 : i32
    %scan3A_104 = arith.constant 64 : i32
    %scan3A_105 = arith.addi %scan3A_103, %scan3A_104 : i32
    %scan3A_106 = arith.constant 1 : i32
    scf.for %scan3A_172 = %scan3A_103 to %scan3A_105 step %scan3A_106  : i32 {
      %add3A_173 = arith.constant 320 : i32
      %add3A_174 = arith.addi %add3A_173, %scan3A_172 : i32
      %get3A = tpu.memref_bitcast %arg5 : memref<512x64xf32, #tpu.memory_space<vmem>> -> memref<512x64xi32, #tpu.memory_space<vmem>>
      %get3A_175 = arith.index_cast %add3A_174 : i32 to index
      %get3A_176 = arith.constant 0 : index
      %get3A_177 = tpu.vector_load %get3A[%get3A_175, %get3A_176] {strides = array<i32>} : memref<512x64xi32, #tpu.memory_space<vmem>>, vector<1x16xi32>,
      %get3A_178 = vector.shape_cast %get3A_177 : vector<1x16xi32> to vector<16xi32>
      %mul3A_179 = arith.constant 64 : i32
      %mul3A_180 = vector.broadcast %mul3A_179 : i32 to vector<16xi32>
      %mul3A_181 = arith.muli %get3A_178, %mul3A_180 : vector<16xi32>
      %add3A_182 = arith.addi %mul3A_181, %add3A_5 : vector<16xi32>
      %mul3A_183 = arith.constant 64 : i32
      %mul3A_184 = arith.muli %add3A_174, %mul3A_183 : i32
      %add3A_185 = arith.constant 0 : i32
      %add3A_186 = arith.addi %mul3A_184, %add3A_185 : i32
      %swap3A = arith.index_cast %add3A_186 : i32 to index
      %swap3A_187 = tpu.vector_load %arg6[%swap3A] {strides = array<i32>} : memref<32768xi32, #tpu.memory_space<vmem>>, vector<16xi32>,
      %swap3A_188 = vector.shape_cast %swap3A_187 : vector<16xi32> to vector<16xi32>
      %swap3A_189 = vector.shape_cast %add3A_182 : vector<16xi32> to vector<16xi32>
      tpu.vector_store %arg6[%swap3A], %swap3A_189 {strides = array<i32>} : memref<32768xi32, #tpu.memory_space<vmem>>, vector<16xi32>,
      %get3A_190 = tpu.memref_bitcast %arg5 : memref<512x64xf32, #tpu.memory_space<vmem>> -> memref<512x64xi32, #tpu.memory_space<vmem>>
      %get3A_191 = arith.index_cast %add3A_174 : i32 to index
      %get3A_192 = arith.constant 16 : index
      %get3A_193 = tpu.vector_load %get3A_190[%get3A_191, %get3A_192] {strides = array<i32>} : memref<512x64xi32, #tpu.memory_space<vmem>>, vector<1x16xi32>,
      %get3A_194 = vector.shape_cast %get3A_193 : vector<1x16xi32> to vector<16xi32>
      %mul3A_195 = arith.constant 64 : i32
      %mul3A_196 = vector.broadcast %mul3A_195 : i32 to vector<16xi32>
      %mul3A_197 = arith.muli %get3A_194, %mul3A_196 : vector<16xi32>
      %add3A_198 = arith.addi %mul3A_197, %add3A_8 : vector<16xi32>
      %mul3A_199 = arith.constant 64 : i32
      %mul3A_200 = arith.muli %add3A_174, %mul3A_199 : i32
      %add3A_201 = arith.constant 16 : i32
      %add3A_202 = arith.addi %mul3A_200, %add3A_201 : i32
      %swap3A_203 = arith.index_cast %add3A_202 : i32 to index
      %swap3A_204 = tpu.vector_load %arg6[%swap3A_203] {strides = array<i32>} : memref<32768xi32, #tpu.memory_space<vmem>>, vector<16xi32>,
      %swap3A_205 = vector.shape_cast %swap3A_204 : vector<16xi32> to vector<16xi32>
      %swap3A_206 = vector.shape_cast %add3A_198 : vector<16xi32> to vector<16xi32>
      tpu.vector_store %arg6[%swap3A_203], %swap3A_206 {strides = array<i32>} : memref<32768xi32, #tpu.memory_space<vmem>>, vector<16xi32>,
      %get3A_207 = tpu.memref_bitcast %arg5 : memref<512x64xf32, #tpu.memory_space<vmem>> -> memref<512x64xi32, #tpu.memory_space<vmem>>
      %get3A_208 = arith.index_cast %add3A_174 : i32 to index
      %get3A_209 = arith.constant 32 : index
      %get3A_210 = tpu.vector_load %get3A_207[%get3A_208, %get3A_209] {strides = array<i32>} : memref<512x64xi32, #tpu.memory_space<vmem>>, vector<1x16xi32>,
      %get3A_211 = vector.shape_cast %get3A_210 : vector<1x16xi32> to vector<16xi32>
      %mul3A_212 = arith.constant 64 : i32
      %mul3A_213 = vector.broadcast %mul3A_212 : i32 to vector<16xi32>
      %mul3A_214 = arith.muli %get3A_211, %mul3A_213 : vector<16xi32>
      %add3A_215 = arith.addi %mul3A_214, %add3A_11 : vector<16xi32>
      %mul3A_216 = arith.constant 64 : i32
      %mul3A_217 = arith.muli %add3A_174, %mul3A_216 : i32
      %add3A_218 = arith.constant 32 : i32
      %add3A_219 = arith.addi %mul3A_217, %add3A_218 : i32
      %swap3A_220 = arith.index_cast %add3A_219 : i32 to index
      %swap3A_221 = tpu.vector_load %arg6[%swap3A_220] {strides = array<i32>} : memref<32768xi32, #tpu.memory_space<vmem>>, vector<16xi32>,
      %swap3A_222 = vector.shape_cast %swap3A_221 : vector<16xi32> to vector<16xi32>
      %swap3A_223 = vector.shape_cast %add3A_215 : vector<16xi32> to vector<16xi32>
      tpu.vector_store %arg6[%swap3A_220], %swap3A_223 {strides = array<i32>} : memref<32768xi32, #tpu.memory_space<vmem>>, vector<16xi32>,
      %get3A_224 = tpu.memref_bitcast %arg5 : memref<512x64xf32, #tpu.memory_space<vmem>> -> memref<512x64xi32, #tpu.memory_space<vmem>>
      %get3A_225 = arith.index_cast %add3A_174 : i32 to index
      %get3A_226 = arith.constant 48 : index
      %get3A_227 = tpu.vector_load %get3A_224[%get3A_225, %get3A_226] {strides = array<i32>} : memref<512x64xi32, #tpu.memory_space<vmem>>, vector<1x16xi32>,
      %get3A_228 = vector.shape_cast %get3A_227 : vector<1x16xi32> to vector<16xi32>
      %mul3A_229 = arith.constant 64 : i32
      %mul3A_230 = vector.broadcast %mul3A_229 : i32 to vector<16xi32>
      %mul3A_231 = arith.muli %get3A_228, %mul3A_230 : vector<16xi32>
      %add3A_232 = arith.addi %mul3A_231, %add3A_14 : vector<16xi32>
      %mul3A_233 = arith.constant 64 : i32
      %mul3A_234 = arith.muli %add3A_174, %mul3A_233 : i32
      %add3A_235 = arith.constant 48 : i32
      %add3A_236 = arith.addi %mul3A_234, %add3A_235 : i32
      %swap3A_237 = arith.index_cast %add3A_236 : i32 to index
      %swap3A_238 = tpu.vector_load %arg6[%swap3A_237] {strides = array<i32>} : memref<32768xi32, #tpu.memory_space<vmem>>, vector<16xi32>,
      %swap3A_239 = vector.shape_cast %swap3A_238 : vector<16xi32> to vector<16xi32>
      %swap3A_240 = vector.shape_cast %add3A_232 : vector<16xi32> to vector<16xi32>
      tpu.vector_store %arg6[%swap3A_237], %swap3A_240 {strides = array<i32>} : memref<32768xi32, #tpu.memory_space<vmem>>, vector<16xi32>,
    }
    %scan3A_107 = arith.constant 64 : i32
    %dma_start3A_108 = arith.constant 20480 : i32
    %dma_start3A_109 = tpu.memref_slice %arg6[%dma_start3A_108] : memref<32768xi32, #tpu.memory_space<vmem>> -> memref<4096xi32, #tpu.memory_space<vmem>>
    %dma_start3A_110 = arith.constant 0 : i32
    %dma_start3A_111 = tpu.memref_slice %arg2[%dma_start3A_110] : memref<64000000xf32, #tpu.memory_space<hbm>> -> memref<64000000xf32, #tpu.memory_space<hbm>>
    tpu.enqueue_indirect_dma source(%dma_start3A_111 : memref<64000000xf32, #tpu.memory_space<hbm>>) target(%arg8 : memref<4096xf32, #tpu.memory_space<vmem>>) offsets(%dma_start3A_109 : memref<4096xi32, #tpu.memory_space<vmem>>) semaphore(%arg10 : memref<!tpu.dma_semaphore, #tpu.memory_space<semaphore_mem>>)
    %dma_wait3A_112 = arith.constant 16384 : i32
    %dma_wait3A_113 = tpu.memref_slice %arg6[%dma_wait3A_112] : memref<32768xi32, #tpu.memory_space<vmem>> -> memref<4096xi32, #tpu.memory_space<vmem>>
    %dma_wait3A_114 = arith.constant 0 : i32
    %dma_wait3A_115 = tpu.memref_slice %arg2[%dma_wait3A_114] : memref<64000000xf32, #tpu.memory_space<hbm>> -> memref<64000000xf32, #tpu.memory_space<hbm>>
    tpu.wait_indirect_dma semaphore(%arg9 : memref<!tpu.dma_semaphore, #tpu.memory_space<semaphore_mem>>) src(%dma_wait3A_115 : memref<64000000xf32, #tpu.memory_space<hbm>>) dst(%arg7 : memref<4096xf32, #tpu.memory_space<vmem>>)
    %scan3A_116 = arith.constant 0 : i32
    %scan3A_117 = arith.constant 0 : i32
    %scan3A_118 = arith.constant 64 : i32
    %scan3A_119 = arith.addi %scan3A_117, %scan3A_118 : i32
    %scan3A_120 = arith.constant 1 : i32
    scf.for %scan3A_172 = %scan3A_117 to %scan3A_119 step %scan3A_120  : i32 {
      %mul3A_173 = arith.constant 64 : i32
      %mul3A_174 = arith.muli %scan3A_172, %mul3A_173 : i32
      %add3A_175 = arith.constant 0 : i32
      %add3A_176 = arith.addi %mul3A_174, %add3A_175 : i32
      %get3A = arith.index_cast %add3A_176 : i32 to index
      %get3A_177 = tpu.vector_load %arg7[%get3A] {strides = array<i32>} : memref<4096xf32, #tpu.memory_space<vmem>>, vector<16xf32>,
      %get3A_178 = vector.shape_cast %get3A_177 : vector<16xf32> to vector<16xf32>
      %add3A_179 = arith.constant 256 : i32
      %add3A_180 = arith.addi %add3A_179, %scan3A_172 : i32
      %swap3A = arith.index_cast %add3A_180 : i32 to index
      %swap3A_181 = arith.constant 0 : index
      %swap3A_182 = tpu.vector_load %arg5[%swap3A, %swap3A_181] {strides = array<i32>} : memref<512x64xf32, #tpu.memory_space<vmem>>, vector<1x16xf32>,
      %swap3A_183 = vector.shape_cast %swap3A_182 : vector<1x16xf32> to vector<16xf32>
      %swap3A_184 = vector.shape_cast %get3A_178 : vector<16xf32> to vector<1x16xf32>
      tpu.vector_store %arg5[%swap3A, %swap3A_181], %swap3A_184 {strides = array<i32>} : memref<512x64xf32, #tpu.memory_space<vmem>>, vector<1x16xf32>,
      %mul3A_185 = arith.constant 64 : i32
      %mul3A_186 = arith.muli %scan3A_172, %mul3A_185 : i32
      %add3A_187 = arith.constant 16 : i32
      %add3A_188 = arith.addi %mul3A_186, %add3A_187 : i32
      %get3A_189 = arith.index_cast %add3A_188 : i32 to index
      %get3A_190 = tpu.vector_load %arg7[%get3A_189] {strides = array<i32>} : memref<4096xf32, #tpu.memory_space<vmem>>, vector<16xf32>,
      %get3A_191 = vector.shape_cast %get3A_190 : vector<16xf32> to vector<16xf32>
      %add3A_192 = arith.constant 256 : i32
      %add3A_193 = arith.addi %add3A_192, %scan3A_172 : i32
      %swap3A_194 = arith.index_cast %add3A_193 : i32 to index
      %swap3A_195 = arith.constant 16 : index
      %swap3A_196 = tpu.vector_load %arg5[%swap3A_194, %swap3A_195] {strides = array<i32>} : memref<512x64xf32, #tpu.memory_space<vmem>>, vector<1x16xf32>,
      %swap3A_197 = vector.shape_cast %swap3A_196 : vector<1x16xf32> to vector<16xf32>
      %swap3A_198 = vector.shape_cast %get3A_191 : vector<16xf32> to vector<1x16xf32>
      tpu.vector_store %arg5[%swap3A_194, %swap3A_195], %swap3A_198 {strides = array<i32>} : memref<512x64xf32, #tpu.memory_space<vmem>>, vector<1x16xf32>,
      %mul3A_199 = arith.constant 64 : i32
      %mul3A_200 = arith.muli %scan3A_172, %mul3A_199 : i32
      %add3A_201 = arith.constant 32 : i32
      %add3A_202 = arith.addi %mul3A_200, %add3A_201 : i32
      %get3A_203 = arith.index_cast %add3A_202 : i32 to index
      %get3A_204 = tpu.vector_load %arg7[%get3A_203] {strides = array<i32>} : memref<4096xf32, #tpu.memory_space<vmem>>, vector<16xf32>,
      %get3A_205 = vector.shape_cast %get3A_204 : vector<16xf32> to vector<16xf32>
      %add3A_206 = arith.constant 256 : i32
      %add3A_207 = arith.addi %add3A_206, %scan3A_172 : i32
      %swap3A_208 = arith.index_cast %add3A_207 : i32 to index
      %swap3A_209 = arith.constant 32 : index
      %swap3A_210 = tpu.vector_load %arg5[%swap3A_208, %swap3A_209] {strides = array<i32>} : memref<512x64xf32, #tpu.memory_space<vmem>>, vector<1x16xf32>,
      %swap3A_211 = vector.shape_cast %swap3A_210 : vector<1x16xf32> to vector<16xf32>
      %swap3A_212 = vector.shape_cast %get3A_205 : vector<16xf32> to vector<1x16xf32>
      tpu.vector_store %arg5[%swap3A_208, %swap3A_209], %swap3A_212 {strides = array<i32>} : memref<512x64xf32, #tpu.memory_space<vmem>>, vector<1x16xf32>,
      %mul3A_213 = arith.constant 64 : i32
      %mul3A_214 = arith.muli %scan3A_172, %mul3A_213 : i32
      %add3A_215 = arith.constant 48 : i32
      %add3A_216 = arith.addi %mul3A_214, %add3A_215 : i32
      %get3A_217 = arith.index_cast %add3A_216 : i32 to index
      %get3A_218 = tpu.vector_load %arg7[%get3A_217] {strides = array<i32>} : memref<4096xf32, #tpu.memory_space<vmem>>, vector<16xf32>,
      %get3A_219 = vector.shape_cast %get3A_218 : vector<16xf32> to vector<16xf32>
      %add3A_220 = arith.constant 256 : i32
      %add3A_221 = arith.addi %add3A_220, %scan3A_172 : i32
      %swap3A_222 = arith.index_cast %add3A_221 : i32 to index
      %swap3A_223 = arith.constant 48 : index
      %swap3A_224 = tpu.vector_load %arg5[%swap3A_222, %swap3A_223] {strides = array<i32>} : memref<512x64xf32, #tpu.memory_space<vmem>>, vector<1x16xf32>,
      %swap3A_225 = vector.shape_cast %swap3A_224 : vector<1x16xf32> to vector<16xf32>
      %swap3A_226 = vector.shape_cast %get3A_219 : vector<16xf32> to vector<1x16xf32>
      tpu.vector_store %arg5[%swap3A_222, %swap3A_223], %swap3A_226 {strides = array<i32>} : memref<512x64xf32, #tpu.memory_space<vmem>>, vector<1x16xf32>,
    }
    %scan3A_121 = arith.constant 64 : i32
    %scan3A_122 = arith.constant 0 : i32
    %scan3A_123 = arith.constant 0 : i32
    %scan3A_124 = arith.constant 64 : i32
    %scan3A_125 = arith.addi %scan3A_123, %scan3A_124 : i32
    %scan3A_126 = arith.constant 1 : i32
    scf.for %scan3A_172 = %scan3A_123 to %scan3A_125 step %scan3A_126  : i32 {
      %add3A_173 = arith.constant 384 : i32
      %add3A_174 = arith.addi %add3A_173, %scan3A_172 : i32
      %get3A = tpu.memref_bitcast %arg5 : memref<512x64xf32, #tpu.memory_space<vmem>> -> memref<512x64xi32, #tpu.memory_space<vmem>>
      %get3A_175 = arith.index_cast %add3A_174 : i32 to index
      %get3A_176 = arith.constant 0 : index
      %get3A_177 = tpu.vector_load %get3A[%get3A_175, %get3A_176] {strides = array<i32>} : memref<512x64xi32, #tpu.memory_space<vmem>>, vector<1x16xi32>,
      %get3A_178 = vector.shape_cast %get3A_177 : vector<1x16xi32> to vector<16xi32>
      %mul3A_179 = arith.constant 64 : i32
      %mul3A_180 = vector.broadcast %mul3A_179 : i32 to vector<16xi32>
      %mul3A_181 = arith.muli %get3A_178, %mul3A_180 : vector<16xi32>
      %add3A_182 = arith.addi %mul3A_181, %add3A_5 : vector<16xi32>
      %mul3A_183 = arith.constant 64 : i32
      %mul3A_184 = arith.muli %add3A_174, %mul3A_183 : i32
      %add3A_185 = arith.constant 0 : i32
      %add3A_186 = arith.addi %mul3A_184, %add3A_185 : i32
      %swap3A = arith.index_cast %add3A_186 : i32 to index
      %swap3A_187 = tpu.vector_load %arg6[%swap3A] {strides = array<i32>} : memref<32768xi32, #tpu.memory_space<vmem>>, vector<16xi32>,
      %swap3A_188 = vector.shape_cast %swap3A_187 : vector<16xi32> to vector<16xi32>
      %swap3A_189 = vector.shape_cast %add3A_182 : vector<16xi32> to vector<16xi32>
      tpu.vector_store %arg6[%swap3A], %swap3A_189 {strides = array<i32>} : memref<32768xi32, #tpu.memory_space<vmem>>, vector<16xi32>,
      %get3A_190 = tpu.memref_bitcast %arg5 : memref<512x64xf32, #tpu.memory_space<vmem>> -> memref<512x64xi32, #tpu.memory_space<vmem>>
      %get3A_191 = arith.index_cast %add3A_174 : i32 to index
      %get3A_192 = arith.constant 16 : index
      %get3A_193 = tpu.vector_load %get3A_190[%get3A_191, %get3A_192] {strides = array<i32>} : memref<512x64xi32, #tpu.memory_space<vmem>>, vector<1x16xi32>,
      %get3A_194 = vector.shape_cast %get3A_193 : vector<1x16xi32> to vector<16xi32>
      %mul3A_195 = arith.constant 64 : i32
      %mul3A_196 = vector.broadcast %mul3A_195 : i32 to vector<16xi32>
      %mul3A_197 = arith.muli %get3A_194, %mul3A_196 : vector<16xi32>
      %add3A_198 = arith.addi %mul3A_197, %add3A_8 : vector<16xi32>
      %mul3A_199 = arith.constant 64 : i32
      %mul3A_200 = arith.muli %add3A_174, %mul3A_199 : i32
      %add3A_201 = arith.constant 16 : i32
      %add3A_202 = arith.addi %mul3A_200, %add3A_201 : i32
      %swap3A_203 = arith.index_cast %add3A_202 : i32 to index
      %swap3A_204 = tpu.vector_load %arg6[%swap3A_203] {strides = array<i32>} : memref<32768xi32, #tpu.memory_space<vmem>>, vector<16xi32>,
      %swap3A_205 = vector.shape_cast %swap3A_204 : vector<16xi32> to vector<16xi32>
      %swap3A_206 = vector.shape_cast %add3A_198 : vector<16xi32> to vector<16xi32>
      tpu.vector_store %arg6[%swap3A_203], %swap3A_206 {strides = array<i32>} : memref<32768xi32, #tpu.memory_space<vmem>>, vector<16xi32>,
      %get3A_207 = tpu.memref_bitcast %arg5 : memref<512x64xf32, #tpu.memory_space<vmem>> -> memref<512x64xi32, #tpu.memory_space<vmem>>
      %get3A_208 = arith.index_cast %add3A_174 : i32 to index
      %get3A_209 = arith.constant 32 : index
      %get3A_210 = tpu.vector_load %get3A_207[%get3A_208, %get3A_209] {strides = array<i32>} : memref<512x64xi32, #tpu.memory_space<vmem>>, vector<1x16xi32>,
      %get3A_211 = vector.shape_cast %get3A_210 : vector<1x16xi32> to vector<16xi32>
      %mul3A_212 = arith.constant 64 : i32
      %mul3A_213 = vector.broadcast %mul3A_212 : i32 to vector<16xi32>
      %mul3A_214 = arith.muli %get3A_211, %mul3A_213 : vector<16xi32>
      %add3A_215 = arith.addi %mul3A_214, %add3A_11 : vector<16xi32>
      %mul3A_216 = arith.constant 64 : i32
      %mul3A_217 = arith.muli %add3A_174, %mul3A_216 : i32
      %add3A_218 = arith.constant 32 : i32
      %add3A_219 = arith.addi %mul3A_217, %add3A_218 : i32
      %swap3A_220 = arith.index_cast %add3A_219 : i32 to index
      %swap3A_221 = tpu.vector_load %arg6[%swap3A_220] {strides = array<i32>} : memref<32768xi32, #tpu.memory_space<vmem>>, vector<16xi32>,
      %swap3A_222 = vector.shape_cast %swap3A_221 : vector<16xi32> to vector<16xi32>
      %swap3A_223 = vector.shape_cast %add3A_215 : vector<16xi32> to vector<16xi32>
      tpu.vector_store %arg6[%swap3A_220], %swap3A_223 {strides = array<i32>} : memref<32768xi32, #tpu.memory_space<vmem>>, vector<16xi32>,
      %get3A_224 = tpu.memref_bitcast %arg5 : memref<512x64xf32, #tpu.memory_space<vmem>> -> memref<512x64xi32, #tpu.memory_space<vmem>>
      %get3A_225 = arith.index_cast %add3A_174 : i32 to index
      %get3A_226 = arith.constant 48 : index
      %get3A_227 = tpu.vector_load %get3A_224[%get3A_225, %get3A_226] {strides = array<i32>} : memref<512x64xi32, #tpu.memory_space<vmem>>, vector<1x16xi32>,
      %get3A_228 = vector.shape_cast %get3A_227 : vector<1x16xi32> to vector<16xi32>
      %mul3A_229 = arith.constant 64 : i32
      %mul3A_230 = vector.broadcast %mul3A_229 : i32 to vector<16xi32>
      %mul3A_231 = arith.muli %get3A_228, %mul3A_230 : vector<16xi32>
      %add3A_232 = arith.addi %mul3A_231, %add3A_14 : vector<16xi32>
      %mul3A_233 = arith.constant 64 : i32
      %mul3A_234 = arith.muli %add3A_174, %mul3A_233 : i32
      %add3A_235 = arith.constant 48 : i32
      %add3A_236 = arith.addi %mul3A_234, %add3A_235 : i32
      %swap3A_237 = arith.index_cast %add3A_236 : i32 to index
      %swap3A_238 = tpu.vector_load %arg6[%swap3A_237] {strides = array<i32>} : memref<32768xi32, #tpu.memory_space<vmem>>, vector<16xi32>,
      %swap3A_239 = vector.shape_cast %swap3A_238 : vector<16xi32> to vector<16xi32>
      %swap3A_240 = vector.shape_cast %add3A_232 : vector<16xi32> to vector<16xi32>
      tpu.vector_store %arg6[%swap3A_237], %swap3A_240 {strides = array<i32>} : memref<32768xi32, #tpu.memory_space<vmem>>, vector<16xi32>,
    }
    %scan3A_127 = arith.constant 64 : i32
    %dma_start3A_128 = arith.constant 24576 : i32
    %dma_start3A_129 = tpu.memref_slice %arg6[%dma_start3A_128] : memref<32768xi32, #tpu.memory_space<vmem>> -> memref<4096xi32, #tpu.memory_space<vmem>>
    %dma_start3A_130 = arith.constant 0 : i32
    %dma_start3A_131 = tpu.memref_slice %arg2[%dma_start3A_130] : memref<64000000xf32, #tpu.memory_space<hbm>> -> memref<64000000xf32, #tpu.memory_space<hbm>>
    tpu.enqueue_indirect_dma source(%dma_start3A_131 : memref<64000000xf32, #tpu.memory_space<hbm>>) target(%arg7 : memref<4096xf32, #tpu.memory_space<vmem>>) offsets(%dma_start3A_129 : memref<4096xi32, #tpu.memory_space<vmem>>) semaphore(%arg9 : memref<!tpu.dma_semaphore, #tpu.memory_space<semaphore_mem>>)
    %dma_wait3A_132 = arith.constant 20480 : i32
    %dma_wait3A_133 = tpu.memref_slice %arg6[%dma_wait3A_132] : memref<32768xi32, #tpu.memory_space<vmem>> -> memref<4096xi32, #tpu.memory_space<vmem>>
    %dma_wait3A_134 = arith.constant 0 : i32
    %dma_wait3A_135 = tpu.memref_slice %arg2[%dma_wait3A_134] : memref<64000000xf32, #tpu.memory_space<hbm>> -> memref<64000000xf32, #tpu.memory_space<hbm>>
    tpu.wait_indirect_dma semaphore(%arg10 : memref<!tpu.dma_semaphore, #tpu.memory_space<semaphore_mem>>) src(%dma_wait3A_135 : memref<64000000xf32, #tpu.memory_space<hbm>>) dst(%arg8 : memref<4096xf32, #tpu.memory_space<vmem>>)
    %scan3A_136 = arith.constant 0 : i32
    %scan3A_137 = arith.constant 0 : i32
    %scan3A_138 = arith.constant 64 : i32
    %scan3A_139 = arith.addi %scan3A_137, %scan3A_138 : i32
    %scan3A_140 = arith.constant 1 : i32
    scf.for %scan3A_172 = %scan3A_137 to %scan3A_139 step %scan3A_140  : i32 {
      %mul3A_173 = arith.constant 64 : i32
      %mul3A_174 = arith.muli %scan3A_172, %mul3A_173 : i32
      %add3A_175 = arith.constant 0 : i32
      %add3A_176 = arith.addi %mul3A_174, %add3A_175 : i32
      %get3A = arith.index_cast %add3A_176 : i32 to index
      %get3A_177 = tpu.vector_load %arg8[%get3A] {strides = array<i32>} : memref<4096xf32, #tpu.memory_space<vmem>>, vector<16xf32>,
      %get3A_178 = vector.shape_cast %get3A_177 : vector<16xf32> to vector<16xf32>
      %add3A_179 = arith.constant 320 : i32
      %add3A_180 = arith.addi %add3A_179, %scan3A_172 : i32
      %swap3A = arith.index_cast %add3A_180 : i32 to index
      %swap3A_181 = arith.constant 0 : index
      %swap3A_182 = tpu.vector_load %arg5[%swap3A, %swap3A_181] {strides = array<i32>} : memref<512x64xf32, #tpu.memory_space<vmem>>, vector<1x16xf32>,
      %swap3A_183 = vector.shape_cast %swap3A_182 : vector<1x16xf32> to vector<16xf32>
      %swap3A_184 = vector.shape_cast %get3A_178 : vector<16xf32> to vector<1x16xf32>
      tpu.vector_store %arg5[%swap3A, %swap3A_181], %swap3A_184 {strides = array<i32>} : memref<512x64xf32, #tpu.memory_space<vmem>>, vector<1x16xf32>,
      %mul3A_185 = arith.constant 64 : i32
      %mul3A_186 = arith.muli %scan3A_172, %mul3A_185 : i32
      %add3A_187 = arith.constant 16 : i32
      %add3A_188 = arith.addi %mul3A_186, %add3A_187 : i32
      %get3A_189 = arith.index_cast %add3A_188 : i32 to index
      %get3A_190 = tpu.vector_load %arg8[%get3A_189] {strides = array<i32>} : memref<4096xf32, #tpu.memory_space<vmem>>, vector<16xf32>,
      %get3A_191 = vector.shape_cast %get3A_190 : vector<16xf32> to vector<16xf32>
      %add3A_192 = arith.constant 320 : i32
      %add3A_193 = arith.addi %add3A_192, %scan3A_172 : i32
      %swap3A_194 = arith.index_cast %add3A_193 : i32 to index
      %swap3A_195 = arith.constant 16 : index
      %swap3A_196 = tpu.vector_load %arg5[%swap3A_194, %swap3A_195] {strides = array<i32>} : memref<512x64xf32, #tpu.memory_space<vmem>>, vector<1x16xf32>,
      %swap3A_197 = vector.shape_cast %swap3A_196 : vector<1x16xf32> to vector<16xf32>
      %swap3A_198 = vector.shape_cast %get3A_191 : vector<16xf32> to vector<1x16xf32>
      tpu.vector_store %arg5[%swap3A_194, %swap3A_195], %swap3A_198 {strides = array<i32>} : memref<512x64xf32, #tpu.memory_space<vmem>>, vector<1x16xf32>,
      %mul3A_199 = arith.constant 64 : i32
      %mul3A_200 = arith.muli %scan3A_172, %mul3A_199 : i32
      %add3A_201 = arith.constant 32 : i32
      %add3A_202 = arith.addi %mul3A_200, %add3A_201 : i32
      %get3A_203 = arith.index_cast %add3A_202 : i32 to index
      %get3A_204 = tpu.vector_load %arg8[%get3A_203] {strides = array<i32>} : memref<4096xf32, #tpu.memory_space<vmem>>, vector<16xf32>,
      %get3A_205 = vector.shape_cast %get3A_204 : vector<16xf32> to vector<16xf32>
      %add3A_206 = arith.constant 320 : i32
      %add3A_207 = arith.addi %add3A_206, %scan3A_172 : i32
      %swap3A_208 = arith.index_cast %add3A_207 : i32 to index
      %swap3A_209 = arith.constant 32 : index
      %swap3A_210 = tpu.vector_load %arg5[%swap3A_208, %swap3A_209] {strides = array<i32>} : memref<512x64xf32, #tpu.memory_space<vmem>>, vector<1x16xf32>,
      %swap3A_211 = vector.shape_cast %swap3A_210 : vector<1x16xf32> to vector<16xf32>
      %swap3A_212 = vector.shape_cast %get3A_205 : vector<16xf32> to vector<1x16xf32>
      tpu.vector_store %arg5[%swap3A_208, %swap3A_209], %swap3A_212 {strides = array<i32>} : memref<512x64xf32, #tpu.memory_space<vmem>>, vector<1x16xf32>,
      %mul3A_213 = arith.constant 64 : i32
      %mul3A_214 = arith.muli %scan3A_172, %mul3A_213 : i32
      %add3A_215 = arith.constant 48 : i32
      %add3A_216 = arith.addi %mul3A_214, %add3A_215 : i32
      %get3A_217 = arith.index_cast %add3A_216 : i32 to index
      %get3A_218 = tpu.vector_load %arg8[%get3A_217] {strides = array<i32>} : memref<4096xf32, #tpu.memory_space<vmem>>, vector<16xf32>,
      %get3A_219 = vector.shape_cast %get3A_218 : vector<16xf32> to vector<16xf32>
      %add3A_220 = arith.constant 320 : i32
      %add3A_221 = arith.addi %add3A_220, %scan3A_172 : i32
      %swap3A_222 = arith.index_cast %add3A_221 : i32 to index
      %swap3A_223 = arith.constant 48 : index
      %swap3A_224 = tpu.vector_load %arg5[%swap3A_222, %swap3A_223] {strides = array<i32>} : memref<512x64xf32, #tpu.memory_space<vmem>>, vector<1x16xf32>,
      %swap3A_225 = vector.shape_cast %swap3A_224 : vector<1x16xf32> to vector<16xf32>
      %swap3A_226 = vector.shape_cast %get3A_219 : vector<16xf32> to vector<1x16xf32>
      tpu.vector_store %arg5[%swap3A_222, %swap3A_223], %swap3A_226 {strides = array<i32>} : memref<512x64xf32, #tpu.memory_space<vmem>>, vector<1x16xf32>,
    }
    %scan3A_141 = arith.constant 64 : i32
    %scan3A_142 = arith.constant 0 : i32
    %scan3A_143 = arith.constant 0 : i32
    %scan3A_144 = arith.constant 64 : i32
    %scan3A_145 = arith.addi %scan3A_143, %scan3A_144 : i32
    %scan3A_146 = arith.constant 1 : i32
    scf.for %scan3A_172 = %scan3A_143 to %scan3A_145 step %scan3A_146  : i32 {
      %add3A_173 = arith.constant 448 : i32
      %add3A_174 = arith.addi %add3A_173, %scan3A_172 : i32
      %get3A = tpu.memref_bitcast %arg5 : memref<512x64xf32, #tpu.memory_space<vmem>> -> memref<512x64xi32, #tpu.memory_space<vmem>>
      %get3A_175 = arith.index_cast %add3A_174 : i32 to index
      %get3A_176 = arith.constant 0 : index
      %get3A_177 = tpu.vector_load %get3A[%get3A_175, %get3A_176] {strides = array<i32>} : memref<512x64xi32, #tpu.memory_space<vmem>>, vector<1x16xi32>,
      %get3A_178 = vector.shape_cast %get3A_177 : vector<1x16xi32> to vector<16xi32>
      %mul3A_179 = arith.constant 64 : i32
      %mul3A_180 = vector.broadcast %mul3A_179 : i32 to vector<16xi32>
      %mul3A_181 = arith.muli %get3A_178, %mul3A_180 : vector<16xi32>
      %add3A_182 = arith.addi %mul3A_181, %add3A_5 : vector<16xi32>
      %mul3A_183 = arith.constant 64 : i32
      %mul3A_184 = arith.muli %add3A_174, %mul3A_183 : i32
      %add3A_185 = arith.constant 0 : i32
      %add3A_186 = arith.addi %mul3A_184, %add3A_185 : i32
      %swap3A = arith.index_cast %add3A_186 : i32 to index
      %swap3A_187 = tpu.vector_load %arg6[%swap3A] {strides = array<i32>} : memref<32768xi32, #tpu.memory_space<vmem>>, vector<16xi32>,
      %swap3A_188 = vector.shape_cast %swap3A_187 : vector<16xi32> to vector<16xi32>
      %swap3A_189 = vector.shape_cast %add3A_182 : vector<16xi32> to vector<16xi32>
      tpu.vector_store %arg6[%swap3A], %swap3A_189 {strides = array<i32>} : memref<32768xi32, #tpu.memory_space<vmem>>, vector<16xi32>,
      %get3A_190 = tpu.memref_bitcast %arg5 : memref<512x64xf32, #tpu.memory_space<vmem>> -> memref<512x64xi32, #tpu.memory_space<vmem>>
      %get3A_191 = arith.index_cast %add3A_174 : i32 to index
      %get3A_192 = arith.constant 16 : index
      %get3A_193 = tpu.vector_load %get3A_190[%get3A_191, %get3A_192] {strides = array<i32>} : memref<512x64xi32, #tpu.memory_space<vmem>>, vector<1x16xi32>,
      %get3A_194 = vector.shape_cast %get3A_193 : vector<1x16xi32> to vector<16xi32>
      %mul3A_195 = arith.constant 64 : i32
      %mul3A_196 = vector.broadcast %mul3A_195 : i32 to vector<16xi32>
      %mul3A_197 = arith.muli %get3A_194, %mul3A_196 : vector<16xi32>
      %add3A_198 = arith.addi %mul3A_197, %add3A_8 : vector<16xi32>
      %mul3A_199 = arith.constant 64 : i32
      %mul3A_200 = arith.muli %add3A_174, %mul3A_199 : i32
      %add3A_201 = arith.constant 16 : i32
      %add3A_202 = arith.addi %mul3A_200, %add3A_201 : i32
      %swap3A_203 = arith.index_cast %add3A_202 : i32 to index
      %swap3A_204 = tpu.vector_load %arg6[%swap3A_203] {strides = array<i32>} : memref<32768xi32, #tpu.memory_space<vmem>>, vector<16xi32>,
      %swap3A_205 = vector.shape_cast %swap3A_204 : vector<16xi32> to vector<16xi32>
      %swap3A_206 = vector.shape_cast %add3A_198 : vector<16xi32> to vector<16xi32>
      tpu.vector_store %arg6[%swap3A_203], %swap3A_206 {strides = array<i32>} : memref<32768xi32, #tpu.memory_space<vmem>>, vector<16xi32>,
      %get3A_207 = tpu.memref_bitcast %arg5 : memref<512x64xf32, #tpu.memory_space<vmem>> -> memref<512x64xi32, #tpu.memory_space<vmem>>
      %get3A_208 = arith.index_cast %add3A_174 : i32 to index
      %get3A_209 = arith.constant 32 : index
      %get3A_210 = tpu.vector_load %get3A_207[%get3A_208, %get3A_209] {strides = array<i32>} : memref<512x64xi32, #tpu.memory_space<vmem>>, vector<1x16xi32>,
      %get3A_211 = vector.shape_cast %get3A_210 : vector<1x16xi32> to vector<16xi32>
      %mul3A_212 = arith.constant 64 : i32
      %mul3A_213 = vector.broadcast %mul3A_212 : i32 to vector<16xi32>
      %mul3A_214 = arith.muli %get3A_211, %mul3A_213 : vector<16xi32>
      %add3A_215 = arith.addi %mul3A_214, %add3A_11 : vector<16xi32>
      %mul3A_216 = arith.constant 64 : i32
      %mul3A_217 = arith.muli %add3A_174, %mul3A_216 : i32
      %add3A_218 = arith.constant 32 : i32
      %add3A_219 = arith.addi %mul3A_217, %add3A_218 : i32
      %swap3A_220 = arith.index_cast %add3A_219 : i32 to index
      %swap3A_221 = tpu.vector_load %arg6[%swap3A_220] {strides = array<i32>} : memref<32768xi32, #tpu.memory_space<vmem>>, vector<16xi32>,
      %swap3A_222 = vector.shape_cast %swap3A_221 : vector<16xi32> to vector<16xi32>
      %swap3A_223 = vector.shape_cast %add3A_215 : vector<16xi32> to vector<16xi32>
      tpu.vector_store %arg6[%swap3A_220], %swap3A_223 {strides = array<i32>} : memref<32768xi32, #tpu.memory_space<vmem>>, vector<16xi32>,
      %get3A_224 = tpu.memref_bitcast %arg5 : memref<512x64xf32, #tpu.memory_space<vmem>> -> memref<512x64xi32, #tpu.memory_space<vmem>>
      %get3A_225 = arith.index_cast %add3A_174 : i32 to index
      %get3A_226 = arith.constant 48 : index
      %get3A_227 = tpu.vector_load %get3A_224[%get3A_225, %get3A_226] {strides = array<i32>} : memref<512x64xi32, #tpu.memory_space<vmem>>, vector<1x16xi32>,
      %get3A_228 = vector.shape_cast %get3A_227 : vector<1x16xi32> to vector<16xi32>
      %mul3A_229 = arith.constant 64 : i32
      %mul3A_230 = vector.broadcast %mul3A_229 : i32 to vector<16xi32>
      %mul3A_231 = arith.muli %get3A_228, %mul3A_230 : vector<16xi32>
      %add3A_232 = arith.addi %mul3A_231, %add3A_14 : vector<16xi32>
      %mul3A_233 = arith.constant 64 : i32
      %mul3A_234 = arith.muli %add3A_174, %mul3A_233 : i32
      %add3A_235 = arith.constant 48 : i32
      %add3A_236 = arith.addi %mul3A_234, %add3A_235 : i32
      %swap3A_237 = arith.index_cast %add3A_236 : i32 to index
      %swap3A_238 = tpu.vector_load %arg6[%swap3A_237] {strides = array<i32>} : memref<32768xi32, #tpu.memory_space<vmem>>, vector<16xi32>,
      %swap3A_239 = vector.shape_cast %swap3A_238 : vector<16xi32> to vector<16xi32>
      %swap3A_240 = vector.shape_cast %add3A_232 : vector<16xi32> to vector<16xi32>
      tpu.vector_store %arg6[%swap3A_237], %swap3A_240 {strides = array<i32>} : memref<32768xi32, #tpu.memory_space<vmem>>, vector<16xi32>,
    }
    %scan3A_147 = arith.constant 64 : i32
    %dma_start3A_148 = arith.constant 28672 : i32
    %dma_start3A_149 = tpu.memref_slice %arg6[%dma_start3A_148] : memref<32768xi32, #tpu.memory_space<vmem>> -> memref<4096xi32, #tpu.memory_space<vmem>>
    %dma_start3A_150 = arith.constant 0 : i32
    %dma_start3A_151 = tpu.memref_slice %arg2[%dma_start3A_150] : memref<64000000xf32, #tpu.memory_space<hbm>> -> memref<64000000xf32, #tpu.memory_space<hbm>>
    tpu.enqueue_indirect_dma source(%dma_start3A_151 : memref<64000000xf32, #tpu.memory_space<hbm>>) target(%arg8 : memref<4096xf32, #tpu.memory_space<vmem>>) offsets(%dma_start3A_149 : memref<4096xi32, #tpu.memory_space<vmem>>) semaphore(%arg10 : memref<!tpu.dma_semaphore, #tpu.memory_space<semaphore_mem>>)
    %dma_wait3A_152 = arith.constant 24576 : i32
    %dma_wait3A_153 = tpu.memref_slice %arg6[%dma_wait3A_152] : memref<32768xi32, #tpu.memory_space<vmem>> -> memref<4096xi32, #tpu.memory_space<vmem>>
    %dma_wait3A_154 = arith.constant 0 : i32
    %dma_wait3A_155 = tpu.memref_slice %arg2[%dma_wait3A_154] : memref<64000000xf32, #tpu.memory_space<hbm>> -> memref<64000000xf32, #tpu.memory_space<hbm>>
    tpu.wait_indirect_dma semaphore(%arg9 : memref<!tpu.dma_semaphore, #tpu.memory_space<semaphore_mem>>) src(%dma_wait3A_155 : memref<64000000xf32, #tpu.memory_space<hbm>>) dst(%arg7 : memref<4096xf32, #tpu.memory_space<vmem>>)
    %scan3A_156 = arith.constant 0 : i32
    %scan3A_157 = arith.constant 0 : i32
    %scan3A_158 = arith.constant 64 : i32
    %scan3A_159 = arith.addi %scan3A_157, %scan3A_158 : i32
    %scan3A_160 = arith.constant 1 : i32
    scf.for %scan3A_172 = %scan3A_157 to %scan3A_159 step %scan3A_160  : i32 {
      %mul3A_173 = arith.constant 64 : i32
      %mul3A_174 = arith.muli %scan3A_172, %mul3A_173 : i32
      %add3A_175 = arith.constant 0 : i32
      %add3A_176 = arith.addi %mul3A_174, %add3A_175 : i32
      %get3A = arith.index_cast %add3A_176 : i32 to index
      %get3A_177 = tpu.vector_load %arg7[%get3A] {strides = array<i32>} : memref<4096xf32, #tpu.memory_space<vmem>>, vector<16xf32>,
      %get3A_178 = vector.shape_cast %get3A_177 : vector<16xf32> to vector<16xf32>
      %add3A_179 = arith.constant 384 : i32
      %add3A_180 = arith.addi %add3A_179, %scan3A_172 : i32
      %swap3A = arith.index_cast %add3A_180 : i32 to index
      %swap3A_181 = arith.constant 0 : index
      %swap3A_182 = tpu.vector_load %arg5[%swap3A, %swap3A_181] {strides = array<i32>} : memref<512x64xf32, #tpu.memory_space<vmem>>, vector<1x16xf32>,
      %swap3A_183 = vector.shape_cast %swap3A_182 : vector<1x16xf32> to vector<16xf32>
      %swap3A_184 = vector.shape_cast %get3A_178 : vector<16xf32> to vector<1x16xf32>
      tpu.vector_store %arg5[%swap3A, %swap3A_181], %swap3A_184 {strides = array<i32>} : memref<512x64xf32, #tpu.memory_space<vmem>>, vector<1x16xf32>,
      %mul3A_185 = arith.constant 64 : i32
      %mul3A_186 = arith.muli %scan3A_172, %mul3A_185 : i32
      %add3A_187 = arith.constant 16 : i32
      %add3A_188 = arith.addi %mul3A_186, %add3A_187 : i32
      %get3A_189 = arith.index_cast %add3A_188 : i32 to index
      %get3A_190 = tpu.vector_load %arg7[%get3A_189] {strides = array<i32>} : memref<4096xf32, #tpu.memory_space<vmem>>, vector<16xf32>,
      %get3A_191 = vector.shape_cast %get3A_190 : vector<16xf32> to vector<16xf32>
      %add3A_192 = arith.constant 384 : i32
      %add3A_193 = arith.addi %add3A_192, %scan3A_172 : i32
      %swap3A_194 = arith.index_cast %add3A_193 : i32 to index
      %swap3A_195 = arith.constant 16 : index
      %swap3A_196 = tpu.vector_load %arg5[%swap3A_194, %swap3A_195] {strides = array<i32>} : memref<512x64xf32, #tpu.memory_space<vmem>>, vector<1x16xf32>,
      %swap3A_197 = vector.shape_cast %swap3A_196 : vector<1x16xf32> to vector<16xf32>
      %swap3A_198 = vector.shape_cast %get3A_191 : vector<16xf32> to vector<1x16xf32>
      tpu.vector_store %arg5[%swap3A_194, %swap3A_195], %swap3A_198 {strides = array<i32>} : memref<512x64xf32, #tpu.memory_space<vmem>>, vector<1x16xf32>,
      %mul3A_199 = arith.constant 64 : i32
      %mul3A_200 = arith.muli %scan3A_172, %mul3A_199 : i32
      %add3A_201 = arith.constant 32 : i32
      %add3A_202 = arith.addi %mul3A_200, %add3A_201 : i32
      %get3A_203 = arith.index_cast %add3A_202 : i32 to index
      %get3A_204 = tpu.vector_load %arg7[%get3A_203] {strides = array<i32>} : memref<4096xf32, #tpu.memory_space<vmem>>, vector<16xf32>,
      %get3A_205 = vector.shape_cast %get3A_204 : vector<16xf32> to vector<16xf32>
      %add3A_206 = arith.constant 384 : i32
      %add3A_207 = arith.addi %add3A_206, %scan3A_172 : i32
      %swap3A_208 = arith.index_cast %add3A_207 : i32 to index
      %swap3A_209 = arith.constant 32 : index
      %swap3A_210 = tpu.vector_load %arg5[%swap3A_208, %swap3A_209] {strides = array<i32>} : memref<512x64xf32, #tpu.memory_space<vmem>>, vector<1x16xf32>,
      %swap3A_211 = vector.shape_cast %swap3A_210 : vector<1x16xf32> to vector<16xf32>
      %swap3A_212 = vector.shape_cast %get3A_205 : vector<16xf32> to vector<1x16xf32>
      tpu.vector_store %arg5[%swap3A_208, %swap3A_209], %swap3A_212 {strides = array<i32>} : memref<512x64xf32, #tpu.memory_space<vmem>>, vector<1x16xf32>,
      %mul3A_213 = arith.constant 64 : i32
      %mul3A_214 = arith.muli %scan3A_172, %mul3A_213 : i32
      %add3A_215 = arith.constant 48 : i32
      %add3A_216 = arith.addi %mul3A_214, %add3A_215 : i32
      %get3A_217 = arith.index_cast %add3A_216 : i32 to index
      %get3A_218 = tpu.vector_load %arg7[%get3A_217] {strides = array<i32>} : memref<4096xf32, #tpu.memory_space<vmem>>, vector<16xf32>,
      %get3A_219 = vector.shape_cast %get3A_218 : vector<16xf32> to vector<16xf32>
      %add3A_220 = arith.constant 384 : i32
      %add3A_221 = arith.addi %add3A_220, %scan3A_172 : i32
      %swap3A_222 = arith.index_cast %add3A_221 : i32 to index
      %swap3A_223 = arith.constant 48 : index
      %swap3A_224 = tpu.vector_load %arg5[%swap3A_222, %swap3A_223] {strides = array<i32>} : memref<512x64xf32, #tpu.memory_space<vmem>>, vector<1x16xf32>,
      %swap3A_225 = vector.shape_cast %swap3A_224 : vector<1x16xf32> to vector<16xf32>
      %swap3A_226 = vector.shape_cast %get3A_219 : vector<16xf32> to vector<1x16xf32>
      tpu.vector_store %arg5[%swap3A_222, %swap3A_223], %swap3A_226 {strides = array<i32>} : memref<512x64xf32, #tpu.memory_space<vmem>>, vector<1x16xf32>,
    }
    %scan3A_161 = arith.constant 64 : i32
    %dma_wait3A_162 = arith.constant 28672 : i32
    %dma_wait3A_163 = tpu.memref_slice %arg6[%dma_wait3A_162] : memref<32768xi32, #tpu.memory_space<vmem>> -> memref<4096xi32, #tpu.memory_space<vmem>>
    %dma_wait3A_164 = arith.constant 0 : i32
    %dma_wait3A_165 = tpu.memref_slice %arg2[%dma_wait3A_164] : memref<64000000xf32, #tpu.memory_space<hbm>> -> memref<64000000xf32, #tpu.memory_space<hbm>>
    tpu.wait_indirect_dma semaphore(%arg10 : memref<!tpu.dma_semaphore, #tpu.memory_space<semaphore_mem>>) src(%dma_wait3A_165 : memref<64000000xf32, #tpu.memory_space<hbm>>) dst(%arg8 : memref<4096xf32, #tpu.memory_space<vmem>>)
    %scan3A_166 = arith.constant 0 : i32
    %scan3A_167 = arith.constant 0 : i32
    %scan3A_168 = arith.constant 64 : i32
    %scan3A_169 = arith.addi %scan3A_167, %scan3A_168 : i32
    %scan3A_170 = arith.constant 1 : i32
    scf.for %scan3A_172 = %scan3A_167 to %scan3A_169 step %scan3A_170  : i32 {
      %mul3A_173 = arith.constant 64 : i32
      %mul3A_174 = arith.muli %scan3A_172, %mul3A_173 : i32
      %add3A_175 = arith.constant 0 : i32
      %add3A_176 = arith.addi %mul3A_174, %add3A_175 : i32
      %get3A = arith.index_cast %add3A_176 : i32 to index
      %get3A_177 = tpu.vector_load %arg8[%get3A] {strides = array<i32>} : memref<4096xf32, #tpu.memory_space<vmem>>, vector<16xf32>,
      %get3A_178 = vector.shape_cast %get3A_177 : vector<16xf32> to vector<16xf32>
      %add3A_179 = arith.constant 448 : i32
      %add3A_180 = arith.addi %add3A_179, %scan3A_172 : i32
      %swap3A = arith.index_cast %add3A_180 : i32 to index
      %swap3A_181 = arith.constant 0 : index
      %swap3A_182 = tpu.vector_load %arg5[%swap3A, %swap3A_181] {strides = array<i32>} : memref<512x64xf32, #tpu.memory_space<vmem>>, vector<1x16xf32>,
      %swap3A_183 = vector.shape_cast %swap3A_182 : vector<1x16xf32> to vector<16xf32>
      %swap3A_184 = vector.shape_cast %get3A_178 : vector<16xf32> to vector<1x16xf32>
      tpu.vector_store %arg5[%swap3A, %swap3A_181], %swap3A_184 {strides = array<i32>} : memref<512x64xf32, #tpu.memory_space<vmem>>, vector<1x16xf32>,
      %mul3A_185 = arith.constant 64 : i32
      %mul3A_186 = arith.muli %scan3A_172, %mul3A_185 : i32
      %add3A_187 = arith.constant 16 : i32
      %add3A_188 = arith.addi %mul3A_186, %add3A_187 : i32
      %get3A_189 = arith.index_cast %add3A_188 : i32 to index
      %get3A_190 = tpu.vector_load %arg8[%get3A_189] {strides = array<i32>} : memref<4096xf32, #tpu.memory_space<vmem>>, vector<16xf32>,
      %get3A_191 = vector.shape_cast %get3A_190 : vector<16xf32> to vector<16xf32>
      %add3A_192 = arith.constant 448 : i32
      %add3A_193 = arith.addi %add3A_192, %scan3A_172 : i32
      %swap3A_194 = arith.index_cast %add3A_193 : i32 to index
      %swap3A_195 = arith.constant 16 : index
      %swap3A_196 = tpu.vector_load %arg5[%swap3A_194, %swap3A_195] {strides = array<i32>} : memref<512x64xf32, #tpu.memory_space<vmem>>, vector<1x16xf32>,
      %swap3A_197 = vector.shape_cast %swap3A_196 : vector<1x16xf32> to vector<16xf32>
      %swap3A_198 = vector.shape_cast %get3A_191 : vector<16xf32> to vector<1x16xf32>
      tpu.vector_store %arg5[%swap3A_194, %swap3A_195], %swap3A_198 {strides = array<i32>} : memref<512x64xf32, #tpu.memory_space<vmem>>, vector<1x16xf32>,
      %mul3A_199 = arith.constant 64 : i32
      %mul3A_200 = arith.muli %scan3A_172, %mul3A_199 : i32
      %add3A_201 = arith.constant 32 : i32
      %add3A_202 = arith.addi %mul3A_200, %add3A_201 : i32
      %get3A_203 = arith.index_cast %add3A_202 : i32 to index
      %get3A_204 = tpu.vector_load %arg8[%get3A_203] {strides = array<i32>} : memref<4096xf32, #tpu.memory_space<vmem>>, vector<16xf32>,
      %get3A_205 = vector.shape_cast %get3A_204 : vector<16xf32> to vector<16xf32>
      %add3A_206 = arith.constant 448 : i32
      %add3A_207 = arith.addi %add3A_206, %scan3A_172 : i32
      %swap3A_208 = arith.index_cast %add3A_207 : i32 to index
      %swap3A_209 = arith.constant 32 : index
      %swap3A_210 = tpu.vector_load %arg5[%swap3A_208, %swap3A_209] {strides = array<i32>} : memref<512x64xf32, #tpu.memory_space<vmem>>, vector<1x16xf32>,
      %swap3A_211 = vector.shape_cast %swap3A_210 : vector<1x16xf32> to vector<16xf32>
      %swap3A_212 = vector.shape_cast %get3A_205 : vector<16xf32> to vector<1x16xf32>
      tpu.vector_store %arg5[%swap3A_208, %swap3A_209], %swap3A_212 {strides = array<i32>} : memref<512x64xf32, #tpu.memory_space<vmem>>, vector<1x16xf32>,
      %mul3A_213 = arith.constant 64 : i32
      %mul3A_214 = arith.muli %scan3A_172, %mul3A_213 : i32
      %add3A_215 = arith.constant 48 : i32
      %add3A_216 = arith.addi %mul3A_214, %add3A_215 : i32
      %get3A_217 = arith.index_cast %add3A_216 : i32 to index
      %get3A_218 = tpu.vector_load %arg8[%get3A_217] {strides = array<i32>} : memref<4096xf32, #tpu.memory_space<vmem>>, vector<16xf32>,
      %get3A_219 = vector.shape_cast %get3A_218 : vector<16xf32> to vector<16xf32>
      %add3A_220 = arith.constant 448 : i32
      %add3A_221 = arith.addi %add3A_220, %scan3A_172 : i32
      %swap3A_222 = arith.index_cast %add3A_221 : i32 to index
      %swap3A_223 = arith.constant 48 : index
      %swap3A_224 = tpu.vector_load %arg5[%swap3A_222, %swap3A_223] {strides = array<i32>} : memref<512x64xf32, #tpu.memory_space<vmem>>, vector<1x16xf32>,
      %swap3A_225 = vector.shape_cast %swap3A_224 : vector<1x16xf32> to vector<16xf32>
      %swap3A_226 = vector.shape_cast %get3A_219 : vector<16xf32> to vector<1x16xf32>
      tpu.vector_store %arg5[%swap3A_222, %swap3A_223], %swap3A_226 {strides = array<i32>} : memref<512x64xf32, #tpu.memory_space<vmem>>, vector<1x16xf32>,
    }
    %scan3A_171 = arith.constant 64 : i32
    "tpu.region"() ({
      %run_scoped3A = tpu.sem_alloc : memref<!tpu.dma_semaphore, #tpu.memory_space<semaphore_mem>>
      %dma_start3A_172 = arith.constant 0 : i32
      %dma_start3A_173 = tpu.memref_slice %arg4[%mul3A_2, %dma_start3A_172] : memref<16384x64xf32, #tpu.memory_space<hbm>> -> memref<512x64xf32, #tpu.memory_space<hbm>>
      %dma_start3A_174 = arith.constant 0 : i32
      %dma_start3A_175 = tpu.memref_slice %arg4[%mul3A_2, %dma_start3A_174] : memref<16384x64xf32, #tpu.memory_space<hbm>> -> memref<512x64xf32, #tpu.memory_space<hbm>>
      tpu.enqueue_dma source(%arg5 : memref<512x64xf32, #tpu.memory_space<vmem>>) target(%dma_start3A_175 : memref<512x64xf32, #tpu.memory_space<hbm>>) target_semaphore(%run_scoped3A : memref<!tpu.dma_semaphore, #tpu.memory_space<semaphore_mem>>)
      %dma_wait3A_176 = arith.constant 0 : i32
      %dma_wait3A_177 = tpu.memref_slice %arg4[%mul3A_2, %dma_wait3A_176] : memref<16384x64xf32, #tpu.memory_space<hbm>> -> memref<512x64xf32, #tpu.memory_space<hbm>>
      %dma_wait3A_178 = arith.constant 0 : i32
      %dma_wait3A_179 = tpu.memref_slice %arg4[%mul3A_2, %dma_wait3A_178] : memref<16384x64xf32, #tpu.memory_space<hbm>> -> memref<512x64xf32, #tpu.memory_space<hbm>>
      tpu.wait_dma2 semaphore(%run_scoped3A : memref<!tpu.dma_semaphore, #tpu.memory_space<semaphore_mem>>) src(%arg5 : memref<512x64xf32, #tpu.memory_space<vmem>>) dst(%dma_wait3A_179 : memref<512x64xf32, #tpu.memory_space<hbm>>)
      tpu.yield
    }) : () -> ()
    return
  }
}

</mosaic_0001>

<sc_bundles>
// kernel: kernel.3.cloned.1.call-start
scs
__scs_entry_jumppad:
0x0: {  	(pc) =	sbr.rel $0x88, $3  }
0x1: {  	(tag) =	ssettag $0x0;
	lr =	simm.s32 $0x1  }
0x2: {  	[smem:$0x3F9F] =	sst lr;
	_ =	strace $0xD0000000  }
0x3: {  	_ = 	snop  }
0x4: {  	_ = 	snop  }
0x5: {  	_ = 	snop  }
0x6: {  	_ = 	snop  }
0x7: {  	_ = 	snop  }
__scs_overlays_trampoline_lowered:
0x8: {  	[smem:$0x3FAE] =	sst s0  }
0x9: {  	[smem:$0x3FAF] =	sst s1  }
0xa: {  	[smem:$0x3FB0] =	sst s2  }
0xb: {  	[smem:$0x3FB1] =	sst s3  }
0xc: {  	[smem:$0x3FB2] =	sst s4  }
0xd: {  	[smem:$0x3FB3] =	sst s5  }
0xe: {  	[smem:$0x3FB4] =	sst s6  }
0xf: {  	[smem:$0x3FB5] =	sst s7  }
0x10: {  	[smem:$0x3FB6] =	sst s8  }
0x11: {  	[smem:$0x3FB7] =	sst s9;
	s0 =	simm.s32 @!p0 $0x0  }
0x12: {  	s1 =	sld [smem:$0x3F9D];
	s0 =	simm.s32 @p0 $0x1  }
0x13: {  	[smem:$0x3FB8] =	sst s0;
	s0 =	simm.s32 @!p1 $0x0  }
0x14: {  	s2 =	sld [smem:$0x3F9C];
	s0 =	simm.s32 @p1 $0x1  }
0x15: {  	[smem:$0x3FB9] =	sst s0;
	s0 =	simm.s32 @!p2 $0x0  }
0x16: {  	s3 =	sld [smem:$0x3FDB];
	s0 =	simm.s32 @p2 $0x1  }
0x17: {  	s4 =	simm.s32 $0x1BF5;
	[smem:$0x3FBB] =	sst s0  }
0x18: {  	s0 =	sld [smem:$0x3F9E];
	_ =	swait.ge [sflag:s4], $0x0  }
0x19: {  	s7 =	sld [smem:$0x3F9F]  }
0x1a: {  	s8 =	sadd.s32 $0xFFFFE003, lr  }
0x1b: {  	s9 =	sadd.s32 $0xFFFFFEF7, lr;
	s5 =	simm.s32 $0xFFFFFFFF;
	p2 =	slt.u32 s8, $0xFFFFF086  }
0x1c: {  	p1 =	slt.u32 s9, $0xF7A;
	s5 =	simm.s32 @!p2 $0x0  }
0x1d: {  	s5 =	simm.s32 @p1 $0x1;
	p0 =	seq.s32 s7, s2  }
0x1e: {  	s7 =	smul.u32 @!p0 $0xF7A, s2;
	p2 =	seq.s32 @!p0 s5, $0x0  }
0x1f: {  	s9 =	smul.u32 $0xF7A, s1;
	s8 =	simm.s32 @!p0 $0x1BF5;
	p2 =	por !p2, p0  }
0x20: {  	[sflag:s8] =	ssyncset.s32 @!p0 $0xFFFFF086;
	s6 =	sadd.s32 @!p0 s3, s7;
	s7 =	simm.s32 @!p0 $0x108  }
0x21: {  	s3 =	sadd.s32 s3, s9;
	s6 =	sadd.s32 @!p0 $0x88, s6;
	s7 =	simm.s32 @p2 $0x1082  }
0x22: {  	[simem:s7], [sflag:s8] =	dma.local @!p0 [hbm:s6], $0xF7A  }
0x23: {  	s9 =	sor.u32 $0xD0000000, s2;
	s6 =	simm.s32 $0x108;
	_ =	swait.ge @!p0 [sflag:s8], $0x0  }
0x24: {  	s3 =	sadd.s32 $0x88, s3;
	s6 =	simm.s32 @!p1 $0x1082;
	[sflag:s4] =	ssyncset.s32 $0xFFFFF086  }
0x25: {  	[simem:s6], [sflag:s4] =	dma.local [hbm:s3], $0xF7A  }
0x26: {  	[smem:$0x3F9F] =	sst s1;
	(tag) =	ssettag s2;
	_ =	strace s9  }
0x27: {  	s1 =	sld [smem:$0x3FAF]  }
0x28: {  	s2 =	sld [smem:$0x3FB0]  }
0x29: {  	s4 =	sld [smem:$0x3FB2]  }
0x2a: {  	p0 =	seq.s32 s5, $0x0;
	s5 =	sld [smem:$0x3FB3]  }
0x2b: {  	s6 =	sld [smem:$0x3FB4]  }
0x2c: {  	s7 =	sld [smem:$0x3FB5]  }
0x2d: {  	s3 =	simm.s32 $0x108;
	s8 =	sld [smem:$0x3FB6]  }
0x2e: {  	s3 =	simm.s32 @!p0 $0x1082;
	s9 =	sld [smem:$0x3FB7]  }
0x2f: {  	lr =	sadd.s32 s0, s3;
	s0 =	sld [smem:$0x3FAE]  }
0x30: {  	s3 =	sld [smem:$0x3FB1]  }
0x31: {  	[smem:$0x3FBA] =	sst s10  }
0x32: {  	s10 =	sld [smem:$0x3FB8];
	_ =	sdelay $0x3  }
0x33: {  	p0 =	seq.s32 s10, $0x1;
	s10 =	sld [smem:$0x3FBA];
	_ =	sdelay $0x3  }
0x34: {  	[smem:$0x3FBA] =	sst s10  }
0x35: {  	s10 =	sld [smem:$0x3FB9];
	_ =	sdelay $0x3  }
0x36: {  	p1 =	seq.s32 s10, $0x1;
	s10 =	sld [smem:$0x3FBA];
	_ =	sdelay $0x3  }
0x37: {  	[smem:$0x3FBA] =	sst s10  }
0x38: {  	s10 =	sld [smem:$0x3FBB]  }
0x39: {  	_ = 	snop;
	(pc) =	sbr.ind lr, $3  }
0x3a: {  	_ = 	snop  }
0x3b: {  	_ = 	snop  }
0x3c: {  	p2 =	seq.s32 s10, $0x1;
	s10 =	sld [smem:$0x3FBA]  }
0x3d: {  	_ =	shalt  }
0x3e: {  	_ =	shalt  }
0x3f: {  	_ =	shalt  }
0x40: {  	_ =	shalt  }
0x41: {  	_ =	shalt  }
0x42: {  	_ =	shalt  }
0x43: {  	_ =	shalt  }
0x44: {  	_ =	shalt  }
0x45: {  	_ =	shalt  }
0x46: {  	_ =	shalt  }
0x47: {  	_ =	shalt  }
0x48: {  	_ =	shalt  }
0x49: {  	_ =	shalt  }
0x4a: {  	_ =	shalt  }
0x4b: {  	_ =	shalt  }
0x4c: {  	_ =	shalt  }
0x4d: {  	_ =	shalt  }
0x4e: {  	_ =	shalt  }
0x4f: {  	_ =	shalt  }
0x50: {  	_ =	shalt  }
0x51: {  	_ =	shalt  }
0x52: {  	_ =	shalt  }
0x53: {  	_ =	shalt  }
0x54: {  	_ =	shalt  }
0x55: {  	_ =	shalt  }
0x56: {  	_ =	shalt  }
0x57: {  	_ =	shalt  }
0x58: {  	_ =	shalt  }
0x59: {  	_ =	shalt  }
0x5a: {  	_ =	shalt  }
0x5b: {  	_ =	shalt  }
0x5c: {  	_ =	shalt  }
0x5d: {  	_ =	shalt  }
0x5e: {  	_ =	shalt  }
0x5f: {  	_ =	shalt  }
0x60: {  	_ =	shalt  }
0x61: {  	_ =	shalt  }
0x62: {  	_ =	shalt  }
0x63: {  	_ =	shalt  }
0x64: {  	_ =	shalt  }
0x65: {  	_ =	shalt  }
0x66: {  	_ =	shalt  }
0x67: {  	_ =	shalt  }
0x68: {  	_ =	shalt  }
0x69: {  	_ =	shalt  }
0x6a: {  	_ =	shalt  }
0x6b: {  	_ =	shalt  }
0x6c: {  	_ =	shalt  }
0x6d: {  	_ =	shalt  }
0x6e: {  	_ =	shalt  }
0x6f: {  	_ =	shalt  }
0x70: {  	_ =	shalt  }
0x71: {  	_ =	shalt  }
0x72: {  	_ =	shalt  }
0x73: {  	_ =	shalt  }
0x74: {  	_ =	shalt  }
0x75: {  	_ =	shalt  }
0x76: {  	_ =	shalt  }
0x77: {  	_ =	shalt  }
0x78: {  	_ =	shalt  }
0x79: {  	_ =	shalt  }
0x7a: {  	_ =	shalt  }
0x7b: {  	_ =	shalt  }
0x7c: {  	_ =	shalt  }
0x7d: {  	_ =	shalt  }
0x7e: {  	_ =	shalt  }
0x7f: {  	_ =	shalt  }
0x80: {  	_ =	shalt  }
0x81: {  	_ =	shalt  }
0x82: {  	_ =	shalt  }
0x83: {  	_ =	shalt  }
0x84: {  	_ =	shalt  }
0x85: {  	_ =	shalt  }
0x86: {  	_ =	shalt  }
0x87: {  	_ =	shalt  }
.Lfunc_end0:
.L_simem_size_0:
called_computation_lowered:
.L_overlay_start_0:
0x88: {  	s2 =	sld [smem:$0x3FD9]  }
0x89: {  	s3 =	sld [smem:$0x3FFE];
	_ =	sdelay $0x1  }
0x8a: {  	s1 =	srdreg.scid  }
0x8b: {  	s0 =	sand.u32 $0x1, s1  }
0x8c: {  	s16 =	sshll.u32 s0, $0xA;
	s2 =	sadd.s32 s3, s2  }
0x8d: {  	s2 =	sadd.s32 s2, s16  }
0x8e: {  	[smem:$0x3FC6] =	sst s2  }
0x8f: {  	_ = 	snop  }
0x90: {  	(tm) =	ssettm $0x1  }
0x91: {  	s17 =	sld [smem:$0x3FFB];
	_ =	sdelay $0x3  }
0x92: {  	_ =	strace s17  }
0x93: {  	s2 =	sld [smem:$0x3FFC];
	_ =	sdelay $0x3  }
0x94: {  	_ =	strace s2  }
0x95: {  	s2 =	sld [smem:$0x3FFD];
	_ =	sdelay $0x3  }
0x96: {  	_ =	strace s2  }
0x97: {  	_ =	strace $0x8FFFFFFF  }
0x98: {  	s18 =	sld [smem:$0x3FDB];
	_ =	sdelay $0x1  }
0x99: {  	s19 =	simm.s32 $_scs_section_size  }
0x9a: {  	s4 =	simm.s32 $_size__tile_overlayer_lowered;
	s5 =	simm.s32 $_tile_overlayer_lowered  }
0x9b: {  	s22 =	simm.s32 $0x1BFF;
	s21 =	sshll.u32 s5, $0x1;
	s2 =	sadd.s32 s19, s18  }
0x9c: {  	s6 =	simm.s32 $0x0;
	s20 =	sshll.u32 s4, $0x1;
	s4 =	sadd.s32 s21, s2  }
0x9d: {  	[timem:s6], [sflag:s22] =	dma.local [hbm:s4], s20  }
0x9e: {  	_ =	swait.ge [sflag:s22], s20  }
0x9f: {  	s3 =	ssub.s32 $0x0, s20;
	[sflag:s22] =	ssyncset.done $0x0  }
0xa0: {  	[sflag:s22] =	ssyncadd.s32 s3;
	_ =	sdelay $0x1  }
0xa1: {  	s23 =	simm.s32 $0x1B8B  }
0xa2: {  	_ =	swait.ge [sflag:s23], $0x1  }
0xa3: {  	[sflag:s23] =	ssyncset.done $0x0  }
0xa4: {  	s25 =	simm.s32 $0x1B8E;
	s24 =	sld [smem:$0x3FFE];
	[sflag:s23] =	ssyncadd.s32 $0xFFFFFFFF  }
0xa5: {  	s26 =	simm.s32 $execute0_lowered;
	[smem:$0x3FD2] =	sst s25  }
0xa6: {  	s4 =	sshll.u32 s26, $0x1;
	_ =	strace $0x80000046;
	[dreg:$0x1] =	wrdreg $0xFFFFFFFF  }
0xa7: {  	s28 =	simm.s32 $_size_execute0_lowered;
	s2 =	sadd.s32 s2, s4;
	[dreg:$0x0] =	wrdreg $0x0  }
0xa8: {  	s4 =	sshll.u32 s28, $0x1;
	[dreg:$0x2] =	wrdreg s2  }
0xa9: {  	[dreg:$0x3] =	wrdreg s4  }
0xaa: {  	[dreg:$0x4] =	wrdreg $0xC0  }
0xab: {  	_ =	task [dreg:s6], $0x5FFFF  }
0xac: {  	[dreg:$0x1] =	wrdreg $0xFFFFFFFF  }
0xad: {  	[dreg:$0x0] =	wrdreg $0x60  }
0xae: {  	[dreg:$0x2] =	wrdreg s24  }
0xaf: {  	[dreg:$0x3] =	wrdreg $0x9  }
0xb0: {  	_ =	task.clear_ibuf [dreg:s6], $0x4FFFF;
	_ =	strace $0x90000046  }
0xb1: {  	s29 =	simm.s32 $0x9;
	_ =	strace $0x80000048  }
0xb2: {  	_ =	swait.ge [sflag:s29], $0x1  }
0xb3: {  	[sflag:s29] =	ssyncadd.s32 $0xFFFFFFFF  }
0xb4: {  	_ =	strace $0x90000048  }
0xb5: {  	_ =	sfence  }
0xb6: {  	s30 =	sld [smem:$0x0];
	_ =	sdelay $0x2  }
0xb7: {  	s31 =	sshll.u32 s1, $0xD;
	s1 =	sshrl.u32 s1, $0x2  }
0xb8: {  	s3 =	sand.u32 $0x4000, s31;
	s1 =	sadd.s32 s1, s30  }
0xb9: {  	s0 =	sor.u32 s3, s0;
	s1 =	sshll.u32 s1, $0x11  }
0xba: {  	s0 =	sor.u32 s1, s0  }
0xbb: {  	s0 =	sadd.s32 $0x8F2B, s0  }
0xbc: {  	[sflag:s0] =	ssyncadd.remote.s32 $0x1  }
0xbd: {  	_ =	sfence.sel $0xFFFF  }
0xbe: {  	[dreg:$0x0] =	wrdreg $0xFFFFFFFF;
	(pc) =	sbr.abs _section_cstart, $3  }
0xbf: {  	[dreg:$0x1] =	wrdreg $0xFFFFFFFF  }
0xc0: {  	_ =	task.clear_ibuf [dreg:s6], $0x2FFFF;
	_ =	strace $0x9FFFFFFF  }
0xc1: {  	(tm) =	ssettm $0x7FFFFFFF  }
tec
execute0_lowered:
.L_overlay_start_1:
0x0: {  	(tag) =	ssettag $0x1  }
0x1: {  	s4 =	rddreg [dreg:$0x0]  }
0x2: {  	s0 =	rddreg [dreg:$0x1];
	s2 =	simm.s32 $0x0;
	s3 =	srdreg.scid  }
0x3: {  	s1 =	stileid.u32;
	s8 =	simm.s32 $0x1000;
	s9 =	simm.s32 $0x10000  }
0x4: {  	s10 =	simm.s32 $0x18000;
	s11 =	simm.s32 $0x11000;
	s12 =	simm.s32 $0x19000  }
0x5: {  	s13 =	simm.s32 $0x1;
	s14 =	simm.s32 $0x12000;
	s15 =	simm.s32 $0x2  }
0x6: {  	s16 =	simm.s32 $0x13000;
	s17 =	simm.s32 $0x14000;
	s18 =	simm.s32 $0x15000  }
0x7: {  	s19 =	simm.s32 $0x16000;
	s20 =	simm.s32 $0x17000;
	s21 =	simm.s32 $0x0  }
0x8: {  	[smem:$0x7FF] =	sst s2;
	s3 =	sand.u32 $0x1, s3;
	s5 =	sshll.u32 s1, $0xE  }
0x9: {  	s6 =	sshll.u32 s3, $0xD;
	s7 =	ssub.s32 $0x2, s3;
	_ =	strace $0x80000047  }
0xa: {  	s3 =	sadd.s32 $0xF42A00, s4;
	s5 =	sor.u32 s6, s5;
	s31 =	sshrl.u32 s7, $0x1  }
0xb: {  	v0 =	vlaneseq.u32;
	s5 =	sadd.s32 s5, s4;
	s6 =	ssub.s32 s7, s31;
	s7 =	simm.s32 $0x3  }
0xc: {  	v1 =	vor.u32 $0x10, v0;
	v2 =	vor.u32 $0x20, v0;
	v3 =	vor.u32 $0x30, v0;
	s4 =	sadd.s32 $0x600, s5;
	s5 =	sadd.s32 $0x40600, s5;
	s6 =	smax.u32 s6, $0x1  }
.LBB2_1:
0xd: {  	[tilespmem:s2], [sflag:$0x3] =	stream.linear.gather [hbm4b:s4+s2], $0x10000, $0x38;
	[tilespmem:$0x1A000] =	vst v63  }
0xe: {  	_ =	swait.ge [sflag:s7], $0x10000  }
0xf: {  	[sflag:s7] =	ssyncset.done $0x0  }
0x10: {  	s23 =	simm.s32 $0x0;
	[sflag:s7] =	ssyncadd.s32 $0xFFFF0000  }
0x11: {  	v4 =	vld [tilespmem:s23+$0x0];
	_ =	sdelay $0x4  }
0x12: {  	v4 =	vshll.u32 v4, $0x6  }
0x13: {  	s22 =	simm.s32 $0x10020;
	v4 =	vor.u32 v0, v4  }
0x14: {  	[tilespmem:s22+$0xFFFFFFE0] =	vst v4  }
0x15: {  	v4 =	vld [tilespmem:s23+$0x10];
	_ =	sdelay $0x4  }
0x16: {  	v4 =	vshll.u32 v4, $0x6  }
0x17: {  	v4 =	vor.u32 v1, v4  }
0x18: {  	[tilespmem:s22+$0xFFFFFFF0] =	vst v4  }
0x19: {  	v4 =	vld [tilespmem:s23+$0x20];
	_ =	sdelay $0x4  }
0x1a: {  	v4 =	vshll.u32 v4, $0x6  }
0x1b: {  	v4 =	vor.u32 v2, v4  }
0x1c: {  	[tilespmem:s22+$0x0] =	vst v4  }
0x1d: {  	v4 =	vld [tilespmem:s23+$0x30];
	_ =	sdelay $0x4  }
0x1e: {  	v4 =	vshll.u32 v4, $0x6  }
0x1f: {  	v4 =	vor.u32 v3, v4  }
0x20: {  	s24 =	simm.s32 $0x400;
	s23 =	simm.s32 $0x80;
	[tilespmem:s22+$0x10] =	vst v4  }
.LBB2_2:
0x21: {  	p0 =	sne.s32 s24, $0x7E00;
	v4 =	vld [tilespmem:s23+$0x0];
	_ =	sdelay $0x4  }
0x22: {  	v4 =	vshll.u32 v4, $0x6  }
0x23: {  	s22 =	sadd.s32 $0x40, s22;
	v4 =	vor.u32 v0, v4  }
0x24: {  	[tilespmem:s22+$0xFFFFFFE0] =	vst v4  }
0x25: {  	v4 =	vld [tilespmem:s23+$0x10];
	_ =	sdelay $0x4  }
0x26: {  	v4 =	vshll.u32 v4, $0x6  }
0x27: {  	v4 =	vor.u32 v1, v4  }
0x28: {  	[tilespmem:s22+$0xFFFFFFF0] =	vst v4  }
0x29: {  	v4 =	vld [tilespmem:s23+$0x20];
	_ =	sdelay $0x4  }
0x2a: {  	v4 =	vshll.u32 v4, $0x6  }
0x2b: {  	v4 =	vor.u32 v2, v4  }
0x2c: {  	[tilespmem:s22+$0x0] =	vst v4  }
0x2d: {  	v4 =	vld [tilespmem:s23+$0x30];
	_ =	sdelay $0x2  }
.Ltmp0:
0x2e: {  	(pc) =	sbr.rel @p0 .LBB2_2-.Ltmp0, $4  }
0x2f: {  	_ = 	snop  }
0x30: {  	v4 =	vshll.u32 v4, $0x6  }
0x31: {  	v4 =	vor.u32 v3, v4  }
0x32: {  	s23 =	sshra.s32 s24, $0x2;
	s24 =	sadd.s32 $0x200, s24;
	[tilespmem:s22+$0x10] =	vst v4  }
0x33: {  	v4 =	vld [tilespmem:s23+$0x0];
	_ =	sdelay $0x4  }
0x34: {  	v4 =	vshll.u32 v4, $0x6  }
0x35: {  	s22 =	sadd.s32 $0x40, s22;
	v4 =	vor.u32 v0, v4  }
0x36: {  	[tilespmem:s22+$0xFFFFFFE0] =	vst v4  }
0x37: {  	v4 =	vld [tilespmem:s23+$0x10];
	_ =	sdelay $0x4  }
0x38: {  	v4 =	vshll.u32 v4, $0x6  }
0x39: {  	v4 =	vor.u32 v1, v4  }
0x3a: {  	[tilespmem:s22+$0xFFFFFFF0] =	vst v4  }
0x3b: {  	v4 =	vld [tilespmem:s23+$0x20];
	_ =	sdelay $0x4  }
0x3c: {  	v4 =	vshll.u32 v4, $0x6  }
0x3d: {  	v4 =	vor.u32 v2, v4  }
0x3e: {  	[tilespmem:s22+$0x0] =	vst v4  }
0x3f: {  	v4 =	vld [tilespmem:s23+$0x30];
	_ =	sdelay $0x4  }
0x40: {  	v4 =	vshll.u32 v4, $0x6  }
0x41: {  	v4 =	vor.u32 v3, v4  }
0x42: {  	[tilespmem:s22+$0x10] =	vst v4;
	s22 =	simm.s32 $0x2030  }
0x43: {  	[tilespmem:s10], [sflag:$0x1] =	stream.indirect.gather [hbm4b:s3+s8], $0x1, s9, s8, $0xb8;
	[tilespmem:$0x1A000] =	vst v63  }
0x44: {  	s24 =	simm.s32 $0x100;
	s23 =	simm.s32 $0x0;
	v4 =	vld [tilespmem:s22+$0xFFFFFFD0]  }
.LBB2_4:
0x45: {  	p0 =	sne.s32 s24, $0x3F00;
	_ =	sdelay $0x3  }
0x46: {  	v4 =	vshll.u32 v4, $0x6  }
0x47: {  	s25 =	sshra.s32 s23, $0x2;
	s23 =	smov.u32 s24;
	v4 =	vor.u32 v0, v4  }
0x48: {  	[tilespmem:s25+$0x11000] =	vst v4  }
0x49: {  	v4 =	vld [tilespmem:s22+$0xFFFFFFE0];
	_ =	sdelay $0x4  }
0x4a: {  	v4 =	vshll.u32 v4, $0x6  }
0x4b: {  	v4 =	vor.u32 v1, v4  }
0x4c: {  	[tilespmem:s25+$0x11010] =	vst v4  }
0x4d: {  	v4 =	vld [tilespmem:s22+$0xFFFFFFF0];
	_ =	sdelay $0x4  }
0x4e: {  	v4 =	vshll.u32 v4, $0x6  }
0x4f: {  	v4 =	vor.u32 v2, v4  }
0x50: {  	[tilespmem:s25+$0x11020] =	vst v4  }
0x51: {  	v4 =	vld [tilespmem:s22+$0x0];
	_ =	sdelay $0x3  }
.Ltmp1:
0x52: {  	(pc) =	sbr.rel @p0 .LBB2_4-.Ltmp1, $4  }
0x53: {  	v4 =	vshll.u32 v4, $0x6  }
0x54: {  	v4 =	vor.u32 v3, v4  }
0x55: {  	s22 =	sadd.s32 $0x80, s22;
	[tilespmem:s25+$0x11030] =	vst v4  }
0x56: {  	s24 =	sadd.s32 $0x100, s24;
	v4 =	vld [tilespmem:s22+$0xFFFFFFD0]  }
0x57: {  	_ =	sdelay $0x3  }
0x58: {  	v4 =	vshll.u32 v4, $0x6  }
0x59: {  	s23 =	sshra.s32 s23, $0x2;
	v4 =	vor.u32 v0, v4  }
0x5a: {  	[tilespmem:s23+$0x11000] =	vst v4  }
0x5b: {  	v4 =	vld [tilespmem:s22+$0xFFFFFFE0];
	_ =	sdelay $0x4  }
0x5c: {  	v4 =	vshll.u32 v4, $0x6  }
0x5d: {  	v4 =	vor.u32 v1, v4  }
0x5e: {  	[tilespmem:s23+$0x11010] =	vst v4  }
0x5f: {  	v4 =	vld [tilespmem:s22+$0xFFFFFFF0];
	_ =	sdelay $0x4  }
0x60: {  	v4 =	vshll.u32 v4, $0x6  }
0x61: {  	v4 =	vor.u32 v2, v4  }
0x62: {  	[tilespmem:s23+$0x11020] =	vst v4  }
0x63: {  	v4 =	vld [tilespmem:s22+$0x0];
	_ =	sdelay $0x4  }
0x64: {  	v4 =	vshll.u32 v4, $0x6  }
0x65: {  	v4 =	vor.u32 v3, v4  }
0x66: {  	[tilespmem:s23+$0x11030] =	vst v4  }
0x67: {  	[tilespmem:s12], [sflag:$0x2] =	stream.indirect.gather [hbm4b:s3+s8], $0x1, s11, s8, $0xb8;
	[tilespmem:$0x1A000] =	vst v63  }
0x68: {  	_ =	swait.ge [sflag:s13], $0x1000  }
0x69: {  	[sflag:s13] =	ssyncset.done $0x0  }
0x6a: {  	s23 =	simm.s32 $0x0;
	[sflag:s13] =	ssyncadd.s32 $0xFFFFF000  }
0x6b: {  	v4 =	vld [tilespmem:s23+$0x18000];
	_ =	sdelay $0x3  }
0x6c: {  	s22 =	simm.s32 $0x20  }
0x6d: {  	[tilespmem:s22+$0xFFFFFFE0] =	vst v4  }
0x6e: {  	v4 =	vld [tilespmem:s23+$0x18010];
	_ =	sdelay $0x4  }
0x6f: {  	[tilespmem:s22+$0xFFFFFFF0] =	vst v4  }
0x70: {  	v4 =	vld [tilespmem:s23+$0x18020];
	_ =	sdelay $0x4  }
0x71: {  	[tilespmem:s22+$0x0] =	vst v4  }
0x72: {  	v4 =	vld [tilespmem:s23+$0x18030];
	_ =	sdelay $0x4  }
0x73: {  	s24 =	simm.s32 $0x40;
	s25 =	simm.s32 $0x200;
	[tilespmem:s22+$0x10] =	vst v4  }
.LBB2_6:
0x74: {  	p0 =	sne.s32 s25, $0x3F00;
	v4 =	vld [tilespmem:s24+$0x18000];
	_ =	sdelay $0x3  }
0x75: {  	s22 =	sadd.s32 $0x80, s22  }
0x76: {  	[tilespmem:s22+$0xFFFFFFE0] =	vst v4  }
0x77: {  	v4 =	vld [tilespmem:s24+$0x18010];
	_ =	sdelay $0x4  }
0x78: {  	[tilespmem:s22+$0xFFFFFFF0] =	vst v4  }
0x79: {  	v4 =	vld [tilespmem:s24+$0x18020];
	_ =	sdelay $0x4  }
0x7a: {  	[tilespmem:s22+$0x0] =	vst v4  }
0x7b: {  	v4 =	vld [tilespmem:s24+$0x18030]  }
.Ltmp2:
0x7c: {  	(pc) =	sbr.rel @p0 .LBB2_6-.Ltmp2, $2  }
0x7d: {  	_ =	sdelay $0x2  }
0x7e: {  	s24 =	sshra.s32 s25, $0x2;
	s25 =	sadd.s32 $0x100, s25;
	[tilespmem:s22+$0x10] =	vst v4  }
0x7f: {  	v4 =	vld [tilespmem:s24+$0x18000];
	_ =	sdelay $0x3  }
0x80: {  	s22 =	sadd.s32 $0x80, s22  }
0x81: {  	[tilespmem:s22+$0xFFFFFFE0] =	vst v4  }
0x82: {  	v4 =	vld [tilespmem:s24+$0x18010];
	_ =	sdelay $0x4  }
0x83: {  	[tilespmem:s22+$0xFFFFFFF0] =	vst v4  }
0x84: {  	v4 =	vld [tilespmem:s24+$0x18020];
	_ =	sdelay $0x4  }
0x85: {  	[tilespmem:s22+$0x0] =	vst v4  }
0x86: {  	v4 =	vld [tilespmem:s24+$0x18030];
	_ =	sdelay $0x4  }
0x87: {  	[tilespmem:s22+$0x10] =	vst v4  }
0x88: {  	v4 =	vld [tilespmem:s23+$0x4000];
	_ =	sdelay $0x4  }
0x89: {  	v4 =	vshll.u32 v4, $0x6  }
0x8a: {  	s22 =	simm.s32 $0x12030;
	v4 =	vor.u32 v0, v4  }
0x8b: {  	[tilespmem:s22+$0xFFFFFFD0] =	vst v4  }
0x8c: {  	v4 =	vld [tilespmem:s23+$0x4010];
	_ =	sdelay $0x4  }
0x8d: {  	v4 =	vshll.u32 v4, $0x6  }
0x8e: {  	v4 =	vor.u32 v1, v4  }
0x8f: {  	[tilespmem:s22+$0xFFFFFFE0] =	vst v4  }
0x90: {  	v4 =	vld [tilespmem:s23+$0x4020];
	_ =	sdelay $0x4  }
0x91: {  	v4 =	vshll.u32 v4, $0x6  }
0x92: {  	v4 =	vor.u32 v2, v4  }
0x93: {  	[tilespmem:s22+$0xFFFFFFF0] =	vst v4  }
0x94: {  	v4 =	vld [tilespmem:s23+$0x4030];
	_ =	sdelay $0x4  }
0x95: {  	v4 =	vshll.u32 v4, $0x6  }
0x96: {  	v4 =	vor.u32 v3, v4  }
0x97: {  	s24 =	simm.s32 $0x400;
	s23 =	simm.s32 $0x80;
	[tilespmem:s22+$0x0] =	vst v4  }
.LBB2_8:
0x98: {  	p0 =	sne.s32 s24, $0x7E00;
	v4 =	vld [tilespmem:s23+$0x4000];
	_ =	sdelay $0x4  }
0x99: {  	v4 =	vshll.u32 v4, $0x6  }
0x9a: {  	s22 =	sadd.s32 $0x40, s22;
	v4 =	vor.u32 v0, v4  }
0x9b: {  	[tilespmem:s22+$0xFFFFFFD0] =	vst v4  }
0x9c: {  	v4 =	vld [tilespmem:s23+$0x4010];
	_ =	sdelay $0x4  }
0x9d: {  	v4 =	vshll.u32 v4, $0x6  }
0x9e: {  	v4 =	vor.u32 v1, v4  }
0x9f: {  	[tilespmem:s22+$0xFFFFFFE0] =	vst v4  }
0xa0: {  	v4 =	vld [tilespmem:s23+$0x4020];
	_ =	sdelay $0x4  }
0xa1: {  	v4 =	vshll.u32 v4, $0x6  }
0xa2: {  	v4 =	vor.u32 v2, v4  }
0xa3: {  	[tilespmem:s22+$0xFFFFFFF0] =	vst v4  }
0xa4: {  	v4 =	vld [tilespmem:s23+$0x4030];
	_ =	sdelay $0x2  }
.Ltmp3:
0xa5: {  	(pc) =	sbr.rel @p0 .LBB2_8-.Ltmp3, $4  }
0xa6: {  	_ = 	snop  }
0xa7: {  	v4 =	vshll.u32 v4, $0x6  }
0xa8: {  	v4 =	vor.u32 v3, v4  }
0xa9: {  	s23 =	sshra.s32 s24, $0x2;
	s24 =	sadd.s32 $0x200, s24;
	[tilespmem:s22+$0x0] =	vst v4  }
0xaa: {  	v4 =	vld [tilespmem:s23+$0x4000];
	_ =	sdelay $0x4  }
0xab: {  	v4 =	vshll.u32 v4, $0x6  }
0xac: {  	s22 =	sadd.s32 $0x40, s22;
	v4 =	vor.u32 v0, v4  }
0xad: {  	[tilespmem:s22+$0xFFFFFFD0] =	vst v4  }
0xae: {  	v4 =	vld [tilespmem:s23+$0x4010];
	_ =	sdelay $0x4  }
0xaf: {  	v4 =	vshll.u32 v4, $0x6  }
0xb0: {  	v4 =	vor.u32 v1, v4  }
0xb1: {  	[tilespmem:s22+$0xFFFFFFE0] =	vst v4  }
0xb2: {  	v4 =	vld [tilespmem:s23+$0x4020];
	_ =	sdelay $0x4  }
0xb3: {  	v4 =	vshll.u32 v4, $0x6  }
0xb4: {  	v4 =	vor.u32 v2, v4  }
0xb5: {  	[tilespmem:s22+$0xFFFFFFF0] =	vst v4  }
0xb6: {  	v4 =	vld [tilespmem:s23+$0x4030];
	_ =	sdelay $0x4  }
0xb7: {  	v4 =	vshll.u32 v4, $0x6  }
0xb8: {  	v4 =	vor.u32 v3, v4  }
0xb9: {  	[tilespmem:s22+$0x0] =	vst v4  }
0xba: {  	[tilespmem:s10], [sflag:$0x1] =	stream.indirect.gather [hbm4b:s3+s8], $0x1, s14, s8, $0xb8;
	[tilespmem:$0x1A000] =	vst v63  }
0xbb: {  	_ =	swait.ge [sflag:s15], $0x1000  }
0xbc: {  	[sflag:s15] =	ssyncset.done $0x0  }
0xbd: {  	s23 =	simm.s32 $0x0;
	[sflag:s15] =	ssyncadd.s32 $0xFFFFF000  }
0xbe: {  	v4 =	vld [tilespmem:s23+$0x19000];
	_ =	sdelay $0x3  }
0xbf: {  	s22 =	simm.s32 $0x2030  }
0xc0: {  	[tilespmem:s22+$0xFFFFFFD0] =	vst v4  }
0xc1: {  	v4 =	vld [tilespmem:s23+$0x19010];
	_ =	sdelay $0x4  }
0xc2: {  	[tilespmem:s22+$0xFFFFFFE0] =	vst v4  }
0xc3: {  	v4 =	vld [tilespmem:s23+$0x19020];
	_ =	sdelay $0x4  }
0xc4: {  	[tilespmem:s22+$0xFFFFFFF0] =	vst v4  }
0xc5: {  	v4 =	vld [tilespmem:s23+$0x19030];
	_ =	sdelay $0x4  }
0xc6: {  	s24 =	simm.s32 $0x40;
	s25 =	simm.s32 $0x200;
	[tilespmem:s22+$0x0] =	vst v4  }
.LBB2_10:
0xc7: {  	p0 =	sne.s32 s25, $0x3F00;
	v4 =	vld [tilespmem:s24+$0x19000];
	_ =	sdelay $0x3  }
0xc8: {  	s22 =	sadd.s32 $0x80, s22  }
0xc9: {  	[tilespmem:s22+$0xFFFFFFD0] =	vst v4  }
0xca: {  	v4 =	vld [tilespmem:s24+$0x19010];
	_ =	sdelay $0x4  }
0xcb: {  	[tilespmem:s22+$0xFFFFFFE0] =	vst v4  }
0xcc: {  	v4 =	vld [tilespmem:s24+$0x19020];
	_ =	sdelay $0x4  }
0xcd: {  	[tilespmem:s22+$0xFFFFFFF0] =	vst v4  }
0xce: {  	v4 =	vld [tilespmem:s24+$0x19030]  }
.Ltmp4:
0xcf: {  	(pc) =	sbr.rel @p0 .LBB2_10-.Ltmp4, $2  }
0xd0: {  	_ =	sdelay $0x2  }
0xd1: {  	s24 =	sshra.s32 s25, $0x2;
	s25 =	sadd.s32 $0x100, s25;
	[tilespmem:s22+$0x0] =	vst v4  }
0xd2: {  	v4 =	vld [tilespmem:s24+$0x19000];
	_ =	sdelay $0x3  }
0xd3: {  	s22 =	sadd.s32 $0x80, s22  }
0xd4: {  	[tilespmem:s22+$0xFFFFFFD0] =	vst v4  }
0xd5: {  	v4 =	vld [tilespmem:s24+$0x19010];
	_ =	sdelay $0x4  }
0xd6: {  	[tilespmem:s22+$0xFFFFFFE0] =	vst v4  }
0xd7: {  	v4 =	vld [tilespmem:s24+$0x19020];
	_ =	sdelay $0x4  }
0xd8: {  	[tilespmem:s22+$0xFFFFFFF0] =	vst v4  }
0xd9: {  	v4 =	vld [tilespmem:s24+$0x19030];
	_ =	sdelay $0x4  }
0xda: {  	[tilespmem:s22+$0x0] =	vst v4  }
0xdb: {  	v4 =	vld [tilespmem:s23+$0x6000];
	_ =	sdelay $0x4  }
0xdc: {  	v4 =	vshll.u32 v4, $0x6  }
0xdd: {  	s22 =	simm.s32 $0x13030;
	v4 =	vor.u32 v0, v4  }
0xde: {  	[tilespmem:s22+$0xFFFFFFD0] =	vst v4  }
0xdf: {  	v4 =	vld [tilespmem:s23+$0x6010];
	_ =	sdelay $0x4  }
0xe0: {  	v4 =	vshll.u32 v4, $0x6  }
0xe1: {  	v4 =	vor.u32 v1, v4  }
0xe2: {  	[tilespmem:s22+$0xFFFFFFE0] =	vst v4  }
0xe3: {  	v4 =	vld [tilespmem:s23+$0x6020];
	_ =	sdelay $0x4  }
0xe4: {  	v4 =	vshll.u32 v4, $0x6  }
0xe5: {  	v4 =	vor.u32 v2, v4  }
0xe6: {  	[tilespmem:s22+$0xFFFFFFF0] =	vst v4  }
0xe7: {  	v4 =	vld [tilespmem:s23+$0x6030];
	_ =	sdelay $0x4  }
0xe8: {  	v4 =	vshll.u32 v4, $0x6  }
0xe9: {  	v4 =	vor.u32 v3, v4  }
0xea: {  	s24 =	simm.s32 $0x400;
	s23 =	simm.s32 $0x80;
	[tilespmem:s22+$0x0] =	vst v4  }
.LBB2_12:
0xeb: {  	p0 =	sne.s32 s24, $0x7E00;
	v4 =	vld [tilespmem:s23+$0x6000];
	_ =	sdelay $0x4  }
0xec: {  	v4 =	vshll.u32 v4, $0x6  }
0xed: {  	s22 =	sadd.s32 $0x40, s22;
	v4 =	vor.u32 v0, v4  }
0xee: {  	[tilespmem:s22+$0xFFFFFFD0] =	vst v4  }
0xef: {  	v4 =	vld [tilespmem:s23+$0x6010];
	_ =	sdelay $0x4  }
0xf0: {  	v4 =	vshll.u32 v4, $0x6  }
0xf1: {  	v4 =	vor.u32 v1, v4  }
0xf2: {  	[tilespmem:s22+$0xFFFFFFE0] =	vst v4  }
0xf3: {  	v4 =	vld [tilespmem:s23+$0x6020];
	_ =	sdelay $0x4  }
0xf4: {  	v4 =	vshll.u32 v4, $0x6  }
0xf5: {  	v4 =	vor.u32 v2, v4  }
0xf6: {  	[tilespmem:s22+$0xFFFFFFF0] =	vst v4  }
0xf7: {  	v4 =	vld [tilespmem:s23+$0x6030];
	_ =	sdelay $0x2  }
.Ltmp5:
0xf8: {  	(pc) =	sbr.rel @p0 .LBB2_12-.Ltmp5, $4  }
0xf9: {  	_ = 	snop  }
0xfa: {  	v4 =	vshll.u32 v4, $0x6  }
0xfb: {  	v4 =	vor.u32 v3, v4  }
0xfc: {  	s23 =	sshra.s32 s24, $0x2;
	s24 =	sadd.s32 $0x200, s24;
	[tilespmem:s22+$0x0] =	vst v4  }
0xfd: {  	v4 =	vld [tilespmem:s23+$0x6000];
	_ =	sdelay $0x4  }
0xfe: {  	v4 =	vshll.u32 v4, $0x6  }
0xff: {  	s22 =	sadd.s32 $0x40, s22;
	v4 =	vor.u32 v0, v4  }
0x100: {  	[tilespmem:s22+$0xFFFFFFD0] =	vst v4  }
0x101: {  	v4 =	vld [tilespmem:s23+$0x6010];
	_ =	sdelay $0x4  }
0x102: {  	v4 =	vshll.u32 v4, $0x6  }
0x103: {  	v4 =	vor.u32 v1, v4  }
0x104: {  	[tilespmem:s22+$0xFFFFFFE0] =	vst v4  }
0x105: {  	v4 =	vld [tilespmem:s23+$0x6020];
	_ =	sdelay $0x4  }
0x106: {  	v4 =	vshll.u32 v4, $0x6  }
0x107: {  	v4 =	vor.u32 v2, v4  }
0x108: {  	[tilespmem:s22+$0xFFFFFFF0] =	vst v4  }
0x109: {  	v4 =	vld [tilespmem:s23+$0x6030];
	_ =	sdelay $0x4  }
0x10a: {  	v4 =	vshll.u32 v4, $0x6  }
0x10b: {  	v4 =	vor.u32 v3, v4  }
0x10c: {  	[tilespmem:s22+$0x0] =	vst v4  }
0x10d: {  	[tilespmem:s12], [sflag:$0x2] =	stream.indirect.gather [hbm4b:s3+s8], $0x1, s16, s8, $0xb8;
	[tilespmem:$0x1A000] =	vst v63  }
0x10e: {  	_ =	swait.ge [sflag:s13], $0x1000  }
0x10f: {  	[sflag:s13] =	ssyncset.done $0x0  }
0x110: {  	s23 =	simm.s32 $0x18020;
	[sflag:s13] =	ssyncadd.s32 $0xFFFFF000  }
0x111: {  	s24 =	simm.s32 $0x200;
	s25 =	simm.s32 $0x0;
	s22 =	simm.s32 $0x0;
	v4 =	vld [tilespmem:s23+$0xFFFFFFE0]  }
.LBB2_14:
0x112: {  	p0 =	sne.s32 s24, $0x7E00;
	_ =	sdelay $0x2  }
0x113: {  	s26 =	sshra.s32 s25, $0x2;
	s25 =	smov.u32 s24  }
0x114: {  	[tilespmem:s26+$0x4000] =	vst v4  }
0x115: {  	v4 =	vld [tilespmem:s23+$0xFFFFFFF0];
	_ =	sdelay $0x4  }
0x116: {  	[tilespmem:s26+$0x4010] =	vst v4  }
0x117: {  	v4 =	vld [tilespmem:s23+$0x0];
	_ =	sdelay $0x4  }
0x118: {  	[tilespmem:s26+$0x4020] =	vst v4  }
0x119: {  	v4 =	vld [tilespmem:s23+$0x10];
	_ =	sdelay $0x1  }
.Ltmp6:
0x11a: {  	(pc) =	sbr.rel @p0 .LBB2_14-.Ltmp6, $3  }
0x11b: {  	_ =	sdelay $0x1  }
0x11c: {  	s23 =	sadd.s32 $0x40, s23;
	[tilespmem:s26+$0x4030] =	vst v4  }
0x11d: {  	s24 =	sadd.s32 $0x200, s24;
	v4 =	vld [tilespmem:s23+$0xFFFFFFE0]  }
0x11e: {  	_ =	sdelay $0x2  }
0x11f: {  	s24 =	sshra.s32 s25, $0x2  }
0x120: {  	[tilespmem:s24+$0x4000] =	vst v4  }
0x121: {  	v4 =	vld [tilespmem:s23+$0xFFFFFFF0];
	_ =	sdelay $0x4  }
0x122: {  	[tilespmem:s24+$0x4010] =	vst v4  }
0x123: {  	v4 =	vld [tilespmem:s23+$0x0];
	_ =	sdelay $0x4  }
0x124: {  	[tilespmem:s24+$0x4020] =	vst v4  }
0x125: {  	v4 =	vld [tilespmem:s23+$0x10];
	_ =	sdelay $0x4  }
0x126: {  	s23 =	simm.s32 $0x8000;
	[tilespmem:s24+$0x4030] =	vst v4  }
0x127: {  	s24 =	simm.s32 $0x100;
	v4 =	vld [tilespmem:s23+$0x0]  }
.LBB2_16:
0x128: {  	p0 =	sne.s32 s24, $0x3F00;
	_ =	sdelay $0x3  }
0x129: {  	v4 =	vshll.u32 v4, $0x6  }
0x12a: {  	s25 =	sshra.s32 s22, $0x2;
	s22 =	smov.u32 s24;
	v4 =	vor.u32 v0, v4  }
0x12b: {  	[tilespmem:s25+$0x14000] =	vst v4  }
0x12c: {  	v4 =	vld [tilespmem:s23+$0x10];
	_ =	sdelay $0x4  }
0x12d: {  	v4 =	vshll.u32 v4, $0x6  }
0x12e: {  	v4 =	vor.u32 v1, v4  }
0x12f: {  	[tilespmem:s25+$0x14010] =	vst v4  }
0x130: {  	v4 =	vld [tilespmem:s23+$0x20];
	_ =	sdelay $0x4  }
0x131: {  	v4 =	vshll.u32 v4, $0x6  }
0x132: {  	v4 =	vor.u32 v2, v4  }
0x133: {  	[tilespmem:s25+$0x14020] =	vst v4  }
0x134: {  	v4 =	vld [tilespmem:s23+$0x30];
	_ =	sdelay $0x3  }
.Ltmp7:
0x135: {  	(pc) =	sbr.rel @p0 .LBB2_16-.Ltmp7, $4  }
0x136: {  	v4 =	vshll.u32 v4, $0x6  }
0x137: {  	v4 =	vor.u32 v3, v4  }
0x138: {  	s23 =	sadd.s32 $0x80, s23;
	[tilespmem:s25+$0x14030] =	vst v4  }
0x139: {  	s24 =	sadd.s32 $0x100, s24;
	v4 =	vld [tilespmem:s23+$0x0]  }
0x13a: {  	_ =	sdelay $0x3  }
0x13b: {  	v4 =	vshll.u32 v4, $0x6  }
0x13c: {  	s22 =	sshra.s32 s22, $0x2;
	v4 =	vor.u32 v0, v4  }
0x13d: {  	[tilespmem:s22+$0x14000] =	vst v4  }
0x13e: {  	v4 =	vld [tilespmem:s23+$0x10];
	_ =	sdelay $0x4  }
0x13f: {  	v4 =	vshll.u32 v4, $0x6  }
0x140: {  	v4 =	vor.u32 v1, v4  }
0x141: {  	[tilespmem:s22+$0x14010] =	vst v4  }
0x142: {  	v4 =	vld [tilespmem:s23+$0x20];
	_ =	sdelay $0x4  }
0x143: {  	v4 =	vshll.u32 v4, $0x6  }
0x144: {  	v4 =	vor.u32 v2, v4  }
0x145: {  	[tilespmem:s22+$0x14020] =	vst v4  }
0x146: {  	v4 =	vld [tilespmem:s23+$0x30];
	_ =	sdelay $0x4  }
0x147: {  	v4 =	vshll.u32 v4, $0x6  }
0x148: {  	v4 =	vor.u32 v3, v4  }
0x149: {  	[tilespmem:s22+$0x14030] =	vst v4  }
0x14a: {  	[tilespmem:s10], [sflag:$0x1] =	stream.indirect.gather [hbm4b:s3+s8], $0x1, s17, s8, $0xb8;
	[tilespmem:$0x1A000] =	vst v63  }
0x14b: {  	_ =	swait.ge [sflag:s15], $0x1000  }
0x14c: {  	[sflag:s15] =	ssyncset.done $0x0  }
0x14d: {  	s23 =	simm.s32 $0x19020;
	[sflag:s15] =	ssyncadd.s32 $0xFFFFF000  }
0x14e: {  	s24 =	simm.s32 $0x200;
	s25 =	simm.s32 $0x0;
	s22 =	simm.s32 $0x0;
	v4 =	vld [tilespmem:s23+$0xFFFFFFE0]  }
.LBB2_18:
0x14f: {  	p0 =	sne.s32 s24, $0x7E00;
	_ =	sdelay $0x2  }
0x150: {  	s26 =	sshra.s32 s25, $0x2;
	s25 =	smov.u32 s24  }
0x151: {  	[tilespmem:s26+$0x6000] =	vst v4  }
0x152: {  	v4 =	vld [tilespmem:s23+$0xFFFFFFF0];
	_ =	sdelay $0x4  }
0x153: {  	[tilespmem:s26+$0x6010] =	vst v4  }
0x154: {  	v4 =	vld [tilespmem:s23+$0x0];
	_ =	sdelay $0x4  }
0x155: {  	[tilespmem:s26+$0x6020] =	vst v4  }
0x156: {  	v4 =	vld [tilespmem:s23+$0x10];
	_ =	sdelay $0x1  }
.Ltmp8:
0x157: {  	(pc) =	sbr.rel @p0 .LBB2_18-.Ltmp8, $3  }
0x158: {  	_ =	sdelay $0x1  }
0x159: {  	s23 =	sadd.s32 $0x40, s23;
	[tilespmem:s26+$0x6030] =	vst v4  }
0x15a: {  	s24 =	sadd.s32 $0x200, s24;
	v4 =	vld [tilespmem:s23+$0xFFFFFFE0]  }
0x15b: {  	_ =	sdelay $0x2  }
0x15c: {  	s24 =	sshra.s32 s25, $0x2  }
0x15d: {  	[tilespmem:s24+$0x6000] =	vst v4  }
0x15e: {  	v4 =	vld [tilespmem:s23+$0xFFFFFFF0];
	_ =	sdelay $0x4  }
0x15f: {  	[tilespmem:s24+$0x6010] =	vst v4  }
0x160: {  	v4 =	vld [tilespmem:s23+$0x0];
	_ =	sdelay $0x4  }
0x161: {  	[tilespmem:s24+$0x6020] =	vst v4  }
0x162: {  	v4 =	vld [tilespmem:s23+$0x10];
	_ =	sdelay $0x4  }
0x163: {  	s23 =	simm.s32 $0xA000;
	[tilespmem:s24+$0x6030] =	vst v4  }
0x164: {  	s24 =	simm.s32 $0x100;
	v4 =	vld [tilespmem:s23+$0x0]  }
.LBB2_20:
0x165: {  	p0 =	sne.s32 s24, $0x3F00;
	_ =	sdelay $0x3  }
0x166: {  	v4 =	vshll.u32 v4, $0x6  }
0x167: {  	s25 =	sshra.s32 s22, $0x2;
	s22 =	smov.u32 s24;
	v4 =	vor.u32 v0, v4  }
0x168: {  	[tilespmem:s25+$0x15000] =	vst v4  }
0x169: {  	v4 =	vld [tilespmem:s23+$0x10];
	_ =	sdelay $0x4  }
0x16a: {  	v4 =	vshll.u32 v4, $0x6  }
0x16b: {  	v4 =	vor.u32 v1, v4  }
0x16c: {  	[tilespmem:s25+$0x15010] =	vst v4  }
0x16d: {  	v4 =	vld [tilespmem:s23+$0x20];
	_ =	sdelay $0x4  }
0x16e: {  	v4 =	vshll.u32 v4, $0x6  }
0x16f: {  	v4 =	vor.u32 v2, v4  }
0x170: {  	[tilespmem:s25+$0x15020] =	vst v4  }
0x171: {  	v4 =	vld [tilespmem:s23+$0x30];
	_ =	sdelay $0x3  }
.Ltmp9:
0x172: {  	(pc) =	sbr.rel @p0 .LBB2_20-.Ltmp9, $4  }
0x173: {  	v4 =	vshll.u32 v4, $0x6  }
0x174: {  	v4 =	vor.u32 v3, v4  }
0x175: {  	s23 =	sadd.s32 $0x80, s23;
	[tilespmem:s25+$0x15030] =	vst v4  }
0x176: {  	s24 =	sadd.s32 $0x100, s24;
	v4 =	vld [tilespmem:s23+$0x0]  }
0x177: {  	_ =	sdelay $0x3  }
0x178: {  	v4 =	vshll.u32 v4, $0x6  }
0x179: {  	s22 =	sshra.s32 s22, $0x2;
	v4 =	vor.u32 v0, v4  }
0x17a: {  	[tilespmem:s22+$0x15000] =	vst v4  }
0x17b: {  	v4 =	vld [tilespmem:s23+$0x10];
	_ =	sdelay $0x4  }
0x17c: {  	v4 =	vshll.u32 v4, $0x6  }
0x17d: {  	v4 =	vor.u32 v1, v4  }
0x17e: {  	[tilespmem:s22+$0x15010] =	vst v4  }
0x17f: {  	v4 =	vld [tilespmem:s23+$0x20];
	_ =	sdelay $0x4  }
0x180: {  	v4 =	vshll.u32 v4, $0x6  }
0x181: {  	v4 =	vor.u32 v2, v4  }
0x182: {  	[tilespmem:s22+$0x15020] =	vst v4  }
0x183: {  	v4 =	vld [tilespmem:s23+$0x30];
	_ =	sdelay $0x4  }
0x184: {  	v4 =	vshll.u32 v4, $0x6  }
0x185: {  	v4 =	vor.u32 v3, v4  }
0x186: {  	[tilespmem:s22+$0x15030] =	vst v4  }
0x187: {  	[tilespmem:s12], [sflag:$0x2] =	stream.indirect.gather [hbm4b:s3+s8], $0x1, s18, s8, $0xb8;
	[tilespmem:$0x1A000] =	vst v63  }
0x188: {  	_ =	swait.ge [sflag:s13], $0x1000  }
0x189: {  	[sflag:s13] =	ssyncset.done $0x0  }
0x18a: {  	s23 =	simm.s32 $0x18020;
	[sflag:s13] =	ssyncadd.s32 $0xFFFFF000  }
0x18b: {  	s24 =	simm.s32 $0x200;
	s25 =	simm.s32 $0x0;
	s22 =	simm.s32 $0x0;
	v4 =	vld [tilespmem:s23+$0xFFFFFFE0]  }
.LBB2_22:
0x18c: {  	p0 =	sne.s32 s24, $0x7E00;
	_ =	sdelay $0x2  }
0x18d: {  	s26 =	sshra.s32 s25, $0x2;
	s25 =	smov.u32 s24  }
0x18e: {  	[tilespmem:s26+$0x8000] =	vst v4  }
0x18f: {  	v4 =	vld [tilespmem:s23+$0xFFFFFFF0];
	_ =	sdelay $0x4  }
0x190: {  	[tilespmem:s26+$0x8010] =	vst v4  }
0x191: {  	v4 =	vld [tilespmem:s23+$0x0];
	_ =	sdelay $0x4  }
0x192: {  	[tilespmem:s26+$0x8020] =	vst v4  }
0x193: {  	v4 =	vld [tilespmem:s23+$0x10];
	_ =	sdelay $0x1  }
.Ltmp10:
0x194: {  	(pc) =	sbr.rel @p0 .LBB2_22-.Ltmp10, $3  }
0x195: {  	_ =	sdelay $0x1  }
0x196: {  	s23 =	sadd.s32 $0x40, s23;
	[tilespmem:s26+$0x8030] =	vst v4  }
0x197: {  	s24 =	sadd.s32 $0x200, s24;
	v4 =	vld [tilespmem:s23+$0xFFFFFFE0]  }
0x198: {  	_ =	sdelay $0x2  }
0x199: {  	s24 =	sshra.s32 s25, $0x2  }
0x19a: {  	[tilespmem:s24+$0x8000] =	vst v4  }
0x19b: {  	v4 =	vld [tilespmem:s23+$0xFFFFFFF0];
	_ =	sdelay $0x4  }
0x19c: {  	[tilespmem:s24+$0x8010] =	vst v4  }
0x19d: {  	v4 =	vld [tilespmem:s23+$0x0];
	_ =	sdelay $0x4  }
0x19e: {  	[tilespmem:s24+$0x8020] =	vst v4  }
0x19f: {  	v4 =	vld [tilespmem:s23+$0x10];
	_ =	sdelay $0x4  }
0x1a0: {  	s23 =	simm.s32 $0xC000;
	[tilespmem:s24+$0x8030] =	vst v4  }
0x1a1: {  	s24 =	simm.s32 $0x100;
	v4 =	vld [tilespmem:s23+$0x0]  }
.LBB2_24:
0x1a2: {  	p0 =	sne.s32 s24, $0x3F00;
	_ =	sdelay $0x3  }
0x1a3: {  	v4 =	vshll.u32 v4, $0x6  }
0x1a4: {  	s25 =	sshra.s32 s22, $0x2;
	s22 =	smov.u32 s24;
	v4 =	vor.u32 v0, v4  }
0x1a5: {  	[tilespmem:s25+$0x16000] =	vst v4  }
0x1a6: {  	v4 =	vld [tilespmem:s23+$0x10];
	_ =	sdelay $0x4  }
0x1a7: {  	v4 =	vshll.u32 v4, $0x6  }
0x1a8: {  	v4 =	vor.u32 v1, v4  }
0x1a9: {  	[tilespmem:s25+$0x16010] =	vst v4  }
0x1aa: {  	v4 =	vld [tilespmem:s23+$0x20];
	_ =	sdelay $0x4  }
0x1ab: {  	v4 =	vshll.u32 v4, $0x6  }
0x1ac: {  	v4 =	vor.u32 v2, v4  }
0x1ad: {  	[tilespmem:s25+$0x16020] =	vst v4  }
0x1ae: {  	v4 =	vld [tilespmem:s23+$0x30];
	_ =	sdelay $0x3  }
.Ltmp11:
0x1af: {  	(pc) =	sbr.rel @p0 .LBB2_24-.Ltmp11, $4  }
0x1b0: {  	v4 =	vshll.u32 v4, $0x6  }
0x1b1: {  	v4 =	vor.u32 v3, v4  }
0x1b2: {  	s23 =	sadd.s32 $0x80, s23;
	[tilespmem:s25+$0x16030] =	vst v4  }
0x1b3: {  	s24 =	sadd.s32 $0x100, s24;
	v4 =	vld [tilespmem:s23+$0x0]  }
0x1b4: {  	_ =	sdelay $0x3  }
0x1b5: {  	v4 =	vshll.u32 v4, $0x6  }
0x1b6: {  	s22 =	sshra.s32 s22, $0x2;
	v4 =	vor.u32 v0, v4  }
0x1b7: {  	[tilespmem:s22+$0x16000] =	vst v4  }
0x1b8: {  	v4 =	vld [tilespmem:s23+$0x10];
	_ =	sdelay $0x4  }
0x1b9: {  	v4 =	vshll.u32 v4, $0x6  }
0x1ba: {  	v4 =	vor.u32 v1, v4  }
0x1bb: {  	[tilespmem:s22+$0x16010] =	vst v4  }
0x1bc: {  	v4 =	vld [tilespmem:s23+$0x20];
	_ =	sdelay $0x4  }
0x1bd: {  	v4 =	vshll.u32 v4, $0x6  }
0x1be: {  	v4 =	vor.u32 v2, v4  }
0x1bf: {  	[tilespmem:s22+$0x16020] =	vst v4  }
0x1c0: {  	v4 =	vld [tilespmem:s23+$0x30];
	_ =	sdelay $0x4  }
0x1c1: {  	v4 =	vshll.u32 v4, $0x6  }
0x1c2: {  	v4 =	vor.u32 v3, v4  }
0x1c3: {  	[tilespmem:s22+$0x16030] =	vst v4  }
0x1c4: {  	[tilespmem:s10], [sflag:$0x1] =	stream.indirect.gather [hbm4b:s3+s8], $0x1, s19, s8, $0xb8;
	[tilespmem:$0x1A000] =	vst v63  }
0x1c5: {  	_ =	swait.ge [sflag:s15], $0x1000  }
0x1c6: {  	[sflag:s15] =	ssyncset.done $0x0  }
0x1c7: {  	s23 =	simm.s32 $0x19020;
	[sflag:s15] =	ssyncadd.s32 $0xFFFFF000  }
0x1c8: {  	s24 =	simm.s32 $0x200;
	s25 =	simm.s32 $0x0;
	s22 =	simm.s32 $0x0;
	v4 =	vld [tilespmem:s23+$0xFFFFFFE0]  }
.LBB2_26:
0x1c9: {  	p0 =	sne.s32 s24, $0x7E00;
	_ =	sdelay $0x2  }
0x1ca: {  	s26 =	sshra.s32 s25, $0x2;
	s25 =	smov.u32 s24  }
0x1cb: {  	[tilespmem:s26+$0xA000] =	vst v4  }
0x1cc: {  	v4 =	vld [tilespmem:s23+$0xFFFFFFF0];
	_ =	sdelay $0x4  }
0x1cd: {  	[tilespmem:s26+$0xA010] =	vst v4  }
0x1ce: {  	v4 =	vld [tilespmem:s23+$0x0];
	_ =	sdelay $0x4  }
0x1cf: {  	[tilespmem:s26+$0xA020] =	vst v4  }
0x1d0: {  	v4 =	vld [tilespmem:s23+$0x10];
	_ =	sdelay $0x1  }
.Ltmp12:
0x1d1: {  	(pc) =	sbr.rel @p0 .LBB2_26-.Ltmp12, $3  }
0x1d2: {  	_ =	sdelay $0x1  }
0x1d3: {  	s23 =	sadd.s32 $0x40, s23;
	[tilespmem:s26+$0xA030] =	vst v4  }
0x1d4: {  	s24 =	sadd.s32 $0x200, s24;
	v4 =	vld [tilespmem:s23+$0xFFFFFFE0]  }
0x1d5: {  	_ =	sdelay $0x2  }
0x1d6: {  	s24 =	sshra.s32 s25, $0x2  }
0x1d7: {  	[tilespmem:s24+$0xA000] =	vst v4  }
0x1d8: {  	v4 =	vld [tilespmem:s23+$0xFFFFFFF0];
	_ =	sdelay $0x4  }
0x1d9: {  	[tilespmem:s24+$0xA010] =	vst v4  }
0x1da: {  	v4 =	vld [tilespmem:s23+$0x0];
	_ =	sdelay $0x4  }
0x1db: {  	[tilespmem:s24+$0xA020] =	vst v4  }
0x1dc: {  	v4 =	vld [tilespmem:s23+$0x10];
	_ =	sdelay $0x4  }
0x1dd: {  	s23 =	simm.s32 $0xE000;
	[tilespmem:s24+$0xA030] =	vst v4  }
0x1de: {  	s24 =	simm.s32 $0x100;
	v4 =	vld [tilespmem:s23+$0x0]  }
.LBB2_28:
0x1df: {  	p0 =	sne.s32 s24, $0x3F00;
	_ =	sdelay $0x3  }
0x1e0: {  	v4 =	vshll.u32 v4, $0x6  }
0x1e1: {  	s25 =	sshra.s32 s22, $0x2;
	s22 =	smov.u32 s24;
	v4 =	vor.u32 v0, v4  }
0x1e2: {  	[tilespmem:s25+$0x17000] =	vst v4  }
0x1e3: {  	v4 =	vld [tilespmem:s23+$0x10];
	_ =	sdelay $0x4  }
0x1e4: {  	v4 =	vshll.u32 v4, $0x6  }
0x1e5: {  	v4 =	vor.u32 v1, v4  }
0x1e6: {  	[tilespmem:s25+$0x17010] =	vst v4  }
0x1e7: {  	v4 =	vld [tilespmem:s23+$0x20];
	_ =	sdelay $0x4  }
0x1e8: {  	v4 =	vshll.u32 v4, $0x6  }
0x1e9: {  	v4 =	vor.u32 v2, v4  }
0x1ea: {  	[tilespmem:s25+$0x17020] =	vst v4  }
0x1eb: {  	v4 =	vld [tilespmem:s23+$0x30];
	_ =	sdelay $0x3  }
.Ltmp13:
0x1ec: {  	(pc) =	sbr.rel @p0 .LBB2_28-.Ltmp13, $4  }
0x1ed: {  	v4 =	vshll.u32 v4, $0x6  }
0x1ee: {  	v4 =	vor.u32 v3, v4  }
0x1ef: {  	s23 =	sadd.s32 $0x80, s23;
	[tilespmem:s25+$0x17030] =	vst v4  }
0x1f0: {  	s24 =	sadd.s32 $0x100, s24;
	v4 =	vld [tilespmem:s23+$0x0]  }
0x1f1: {  	_ =	sdelay $0x3  }
0x1f2: {  	v4 =	vshll.u32 v4, $0x6  }
0x1f3: {  	s22 =	sshra.s32 s22, $0x2;
	v4 =	vor.u32 v0, v4  }
0x1f4: {  	[tilespmem:s22+$0x17000] =	vst v4  }
0x1f5: {  	v4 =	vld [tilespmem:s23+$0x10];
	_ =	sdelay $0x4  }
0x1f6: {  	v4 =	vshll.u32 v4, $0x6  }
0x1f7: {  	v4 =	vor.u32 v1, v4  }
0x1f8: {  	[tilespmem:s22+$0x17010] =	vst v4  }
0x1f9: {  	v4 =	vld [tilespmem:s23+$0x20];
	_ =	sdelay $0x4  }
0x1fa: {  	v4 =	vshll.u32 v4, $0x6  }
0x1fb: {  	v4 =	vor.u32 v2, v4  }
0x1fc: {  	[tilespmem:s22+$0x17020] =	vst v4  }
0x1fd: {  	v4 =	vld [tilespmem:s23+$0x30];
	_ =	sdelay $0x4  }
0x1fe: {  	v4 =	vshll.u32 v4, $0x6  }
0x1ff: {  	v4 =	vor.u32 v3, v4  }
0x200: {  	[tilespmem:s22+$0x17030] =	vst v4  }
0x201: {  	[tilespmem:s12], [sflag:$0x2] =	stream.indirect.gather [hbm4b:s3+s8], $0x1, s20, s8, $0xb8;
	[tilespmem:$0x1A000] =	vst v63  }
0x202: {  	_ =	swait.ge [sflag:s13], $0x1000  }
0x203: {  	[sflag:s13] =	ssyncset.done $0x0  }
0x204: {  	s22 =	simm.s32 $0x18020;
	[sflag:s13] =	ssyncadd.s32 $0xFFFFF000  }
0x205: {  	s24 =	simm.s32 $0x200;
	s23 =	simm.s32 $0x0;
	v4 =	vld [tilespmem:s22+$0xFFFFFFE0]  }
.LBB2_30:
0x206: {  	p0 =	sne.s32 s24, $0x7E00;
	_ =	sdelay $0x2  }
0x207: {  	s25 =	sshra.s32 s23, $0x2;
	s23 =	smov.u32 s24  }
0x208: {  	[tilespmem:s25+$0xC000] =	vst v4  }
0x209: {  	v4 =	vld [tilespmem:s22+$0xFFFFFFF0];
	_ =	sdelay $0x4  }
0x20a: {  	[tilespmem:s25+$0xC010] =	vst v4  }
0x20b: {  	v4 =	vld [tilespmem:s22+$0x0];
	_ =	sdelay $0x4  }
0x20c: {  	[tilespmem:s25+$0xC020] =	vst v4  }
0x20d: {  	v4 =	vld [tilespmem:s22+$0x10];
	_ =	sdelay $0x1  }
.Ltmp14:
0x20e: {  	(pc) =	sbr.rel @p0 .LBB2_30-.Ltmp14, $3  }
0x20f: {  	_ =	sdelay $0x1  }
0x210: {  	s22 =	sadd.s32 $0x40, s22;
	[tilespmem:s25+$0xC030] =	vst v4  }
0x211: {  	s24 =	sadd.s32 $0x200, s24;
	v4 =	vld [tilespmem:s22+$0xFFFFFFE0]  }
0x212: {  	_ =	sdelay $0x2  }
0x213: {  	s23 =	sshra.s32 s23, $0x2  }
0x214: {  	[tilespmem:s23+$0xC000] =	vst v4  }
0x215: {  	v4 =	vld [tilespmem:s22+$0xFFFFFFF0];
	_ =	sdelay $0x4  }
0x216: {  	[tilespmem:s23+$0xC010] =	vst v4  }
0x217: {  	v4 =	vld [tilespmem:s22+$0x0];
	_ =	sdelay $0x4  }
0x218: {  	[tilespmem:s23+$0xC020] =	vst v4  }
0x219: {  	v4 =	vld [tilespmem:s22+$0x10];
	_ =	sdelay $0x4  }
0x21a: {  	[tilespmem:s23+$0xC030] =	vst v4  }
0x21b: {  	_ =	swait.ge [sflag:s15], $0x1000  }
0x21c: {  	[sflag:s15] =	ssyncset.done $0x0  }
0x21d: {  	s22 =	simm.s32 $0x19020;
	[sflag:s15] =	ssyncadd.s32 $0xFFFFF000  }
0x21e: {  	s24 =	simm.s32 $0x200;
	s23 =	simm.s32 $0x0;
	v4 =	vld [tilespmem:s22+$0xFFFFFFE0]  }
.LBB2_32:
0x21f: {  	p0 =	sne.s32 s24, $0x7E00;
	_ =	sdelay $0x2  }
0x220: {  	s25 =	sshra.s32 s23, $0x2;
	s23 =	smov.u32 s24  }
0x221: {  	[tilespmem:s25+$0xE000] =	vst v4  }
0x222: {  	v4 =	vld [tilespmem:s22+$0xFFFFFFF0];
	_ =	sdelay $0x4  }
0x223: {  	[tilespmem:s25+$0xE010] =	vst v4  }
0x224: {  	v4 =	vld [tilespmem:s22+$0x0];
	_ =	sdelay $0x4  }
0x225: {  	[tilespmem:s25+$0xE020] =	vst v4  }
0x226: {  	v4 =	vld [tilespmem:s22+$0x10];
	_ =	sdelay $0x1  }
.Ltmp15:
0x227: {  	(pc) =	sbr.rel @p0 .LBB2_32-.Ltmp15, $3  }
0x228: {  	_ =	sdelay $0x1  }
0x229: {  	s22 =	sadd.s32 $0x40, s22;
	[tilespmem:s25+$0xE030] =	vst v4  }
0x22a: {  	s24 =	sadd.s32 $0x200, s24;
	v4 =	vld [tilespmem:s22+$0xFFFFFFE0]  }
0x22b: {  	_ =	sdelay $0x2  }
0x22c: {  	s23 =	sshra.s32 s23, $0x2  }
0x22d: {  	[tilespmem:s23+$0xE000] =	vst v4  }
0x22e: {  	v4 =	vld [tilespmem:s22+$0xFFFFFFF0];
	_ =	sdelay $0x4  }
0x22f: {  	[tilespmem:s23+$0xE010] =	vst v4  }
0x230: {  	v4 =	vld [tilespmem:s22+$0x0];
	_ =	sdelay $0x4  }
0x231: {  	[tilespmem:s23+$0xE020] =	vst v4  }
0x232: {  	v4 =	vld [tilespmem:s22+$0x10];
	_ =	sdelay $0x2  }
0x233: {  	s21 =	sadd.s32 $0x1, s21  }
0x234: {  	p0 =	sne.s32 s21, s6  }
.Ltmp16:
0x235: {  	[tilespmem:s23+$0xE030] =	vst v4;
	(pc) =	sbr.rel @p0 .LBB2_1-.Ltmp16, $4  }
0x236: {  	[hbm4b:s5+s2] =	stream.linear.scatter [tilespmem:s2], [sflag:$0x3], $0x10000, $0x38;
	[tilespmem:$0x1A000] =	vst v63  }
0x237: {  	_ =	swait.ge [sflag:s7], $0x10000  }
0x238: {  	[sflag:s7] =	ssyncset.done $0x0  }
0x239: {  	[sflag:s7] =	ssyncadd.s32 $0xFFFF0000  }
0x23a: {  	_ =	sfence.sel $0x180000  }
0x23b: {  	[bflag:$0x0] =	sbarrier.arrive $0xFFFF  }
0x23c: {  	p0 =	sne.s32 s1, $0x0;
	_ =	strace $0x90000047  }
0x23d: {  	s0 =	sadd.s32 @!p0 $0x100000, s0;
	[bflag:$0x2] =	sbarrier.arrive $0xFFFF  }
0x23e: {  	[sflag:s0] =	ssyncadd.tile.s32 @!p0 $0x1;
	_ =	shalt  }
.Lfunc_end2:
_tile_overlayer_lowered:
.L_overlay_start_2:
0x23f: {  	(tag) =	ssettag $0x2  }
0x240: {  	s0 =	rddreg [dreg:$0x0];
	s2 =	stileid.u32  }
0x241: {  	s1 =	rddreg [dreg:$0x1];
	p0 =	sne.s32 s2, $0x0  }
0x242: {  	s3 =	rddreg [dreg:$0x2];
	[bflag:$0x3] =	sbarrier.arrive $0xFFFF;
	s2 =	simm.s32 @!p0 $0x1C03  }
0x243: {  	[timem:s3], [sflag:s2] =	dma.local @!p0 [hbm:s0], s1  }
0x244: {  	s0 =	simm.s32 @!p0 $0x3  }
0x245: {  	_ =	swait.ge @!p0 [sflag:s0], s1  }
0x246: {  	s1 =	ssub.s32 @!p0 $0x0, s1;
	[sflag:s0] =	ssyncset.done @!p0 $0x0  }
0x247: {  	[sflag:s0] =	ssyncadd.s32 @!p0 s1  }
0x248: {  	[bflag:$0x3] =	sbarrier.arrive $0xFFFF  }
0x249: {  	_ =	shalt  }

</sc_bundles>
